<compile_context>
chip_gen: v7x
topology: tpu7x:2x2x1
jax: 0.10.2.dev20260603
libtpu: 0.0.44.dev20260713+nightly
codegen_flags: <defaults>
</compile_context>

<pallas_src>
import functools

import jax
import jax.numpy as jnp
from jax import lax
from jax.experimental import pallas as pl
from jax.experimental.pallas import tpu as pltpu
from jax.experimental.pallas import tpu_sc as plsc

VOCAB = 1000000
DIM = 64
PDIM = 128
N = 4096 * 200
NUM_WORKERS = 32
PER_WORKER = N // NUM_WORKERS
CHUNK = 128
NCHUNKS = PER_WORKER // CHUNK
NBUF = 8
AHEAD = 5
GROUPS = NCHUNKS // NBUF


@functools.partial(
    pl.kernel,
    mesh=plsc.VectorSubcoreMesh(core_axis_name="c", subcore_axis_name="s"),
    out_type=jax.ShapeDtypeStruct((N, PDIM), jnp.float32),
    scratch_types=[
        pltpu.VMEM((PER_WORKER,), jnp.int32),
        tuple(pltpu.VMEM((CHUNK, DIM), jnp.float32) for _ in range(NBUF)),
        tuple(pltpu.SemaphoreType.DMA for _ in range(NBUF)),
        tuple(pltpu.SemaphoreType.DMA for _ in range(NBUF)),
    ],
    compiler_params=pltpu.CompilerParams(use_tc_tiling_on_sc=False),
)
def _gather_kernel(idx_hbm, table_hbm, out_hbm, idx_v, rows, gsem, osem):
    wid = lax.axis_index("s") * 2 + lax.axis_index("c")
    base = wid * PER_WORKER

    pltpu.sync_copy(idx_hbm.at[pl.ds(base, PER_WORKER)], idx_v)

    def fire_gather(j, b):
        pltpu.async_copy(
            table_hbm.at[idx_v.at[pl.ds(j * CHUNK, CHUNK)]], rows[b], gsem[b]
        )

    for j in range(AHEAD):
        fire_gather(j, j % NBUF)

    def group(g, carry):
        for b in range(NBUF):
            j = g * NBUF + b
            jp = j + AHEAD
            bp = (b + AHEAD) % NBUF

            @pl.when(jnp.logical_and(jp >= NBUF, jp < NCHUNKS))
            def _():
                pltpu.make_async_copy(
                    rows[bp],
                    out_hbm.at[pl.ds(base, CHUNK), pl.ds(0, DIM)],
                    osem[bp],
                ).wait()

            @pl.when(jp < NCHUNKS)
            def _():
                fire_gather(jp, bp)

            pltpu.make_async_copy(
                table_hbm.at[idx_v.at[pl.ds(j * CHUNK, CHUNK)]], rows[b], gsem[b]
            ).wait()
            pltpu.async_copy(
                rows[b],
                out_hbm.at[pl.ds(base + j * CHUNK, CHUNK), pl.ds(0, DIM)],
                osem[b],
            )
        return carry

    lax.fori_loop(0, GROUPS, group, 0)

    for b in range(NBUF):
        pltpu.make_async_copy(
            rows[b], out_hbm.at[pl.ds(base, CHUNK), pl.ds(0, DIM)], osem[b]
        ).wait()


def kernel(tokens, emb_weight):
    idx_flat = tokens.reshape(-1).astype(jnp.int32)
    out = _gather_kernel(idx_flat, emb_weight)
    out3 = out.reshape(tokens.shape[0], tokens.shape[1], PDIM)
    return out3[:, :, :DIM]

# --- scband reference (transcript-rebuilt; emitter-appended) ---
"""Pipeline reference for scband-text-bridge-38749194944672 (READ-ONLY COPY).

The authoritative reference and input builder live on the scoring server;
editing this copy changes nothing except your own understanding.
"""

import jax, jax.numpy as jnp
import numpy as np

VOCAB = 1000000
DIM = 64
BATCH = 4096
HIST = 200

def setup_inputs(seed: int = 0) -> dict:
    key = jax.random.key(seed)
    k_tok, k_emb = jax.random.split(key)
    tokens = jax.random.randint(k_tok, (BATCH, HIST), 0, VOCAB, dtype=jnp.int64 if jax.config.jax_enable_x64 else jnp.int32)
    emb_weight = jax.random.normal(k_emb, (VOCAB, DIM), dtype=jnp.float32)
    return {"tokens": tokens, "emb_weight": emb_weight}

def reference(tokens, emb_weight):
    # nn.Embedding forward: row gather from the embedding table
    return jnp.take(emb_weight, tokens, axis=0)

if __name__ == "__main__":
    import jax
    _d = setup_inputs()
    print(jax.jit(kernel)(*tuple(_d.values())))

</pallas_src>

<mosaic_0001>
#map = affine_map<(d0, d1) -> (0)>
#map1 = affine_map<(d0, d1) -> (0, 0)>
module attributes {stable_mosaic.version = 14 : i64} {
  func.func @_gather_kernel(%arg0: i32, %arg1: i32, %arg2: memref<819200xi32, #tpu.memory_space<hbm>>, %arg3: memref<1000000x64xf32, #tpu.memory_space<hbm>>, %arg4: memref<819200x128xf32, #tpu.memory_space<hbm>>, %arg5: memref<25600xi32, #tpu.memory_space<vmem>>, %arg6: memref<128x64xf32, #tpu.memory_space<vmem>>, %arg7: memref<128x64xf32, #tpu.memory_space<vmem>>, %arg8: memref<128x64xf32, #tpu.memory_space<vmem>>, %arg9: memref<128x64xf32, #tpu.memory_space<vmem>>, %arg10: memref<128x64xf32, #tpu.memory_space<vmem>>, %arg11: memref<128x64xf32, #tpu.memory_space<vmem>>, %arg12: memref<128x64xf32, #tpu.memory_space<vmem>>, %arg13: memref<128x64xf32, #tpu.memory_space<vmem>>, %arg14: memref<!tpu.dma_semaphore, #tpu.memory_space<semaphore_mem>>, %arg15: memref<!tpu.dma_semaphore, #tpu.memory_space<semaphore_mem>>, %arg16: memref<!tpu.dma_semaphore, #tpu.memory_space<semaphore_mem>>, %arg17: memref<!tpu.dma_semaphore, #tpu.memory_space<semaphore_mem>>, %arg18: memref<!tpu.dma_semaphore, #tpu.memory_space<semaphore_mem>>, %arg19: memref<!tpu.dma_semaphore, #tpu.memory_space<semaphore_mem>>, %arg20: memref<!tpu.dma_semaphore, #tpu.memory_space<semaphore_mem>>, %arg21: memref<!tpu.dma_semaphore, #tpu.memory_space<semaphore_mem>>, %arg22: memref<!tpu.dma_semaphore, #tpu.memory_space<semaphore_mem>>, %arg23: memref<!tpu.dma_semaphore, #tpu.memory_space<semaphore_mem>>, %arg24: memref<!tpu.dma_semaphore, #tpu.memory_space<semaphore_mem>>, %arg25: memref<!tpu.dma_semaphore, #tpu.memory_space<semaphore_mem>>, %arg26: memref<!tpu.dma_semaphore, #tpu.memory_space<semaphore_mem>>, %arg27: memref<!tpu.dma_semaphore, #tpu.memory_space<semaphore_mem>>, %arg28: memref<!tpu.dma_semaphore, #tpu.memory_space<semaphore_mem>>, %arg29: memref<!tpu.dma_semaphore, #tpu.memory_space<semaphore_mem>>) attributes {dimension_semantics = [#tpu.dimension_semantics<core_parallel>, #tpu.dimension_semantics<subcore_parallel>], iteration_bounds = array<i64: 2, 16>, scalar_prefetch = 0 : i64, scratch_operands = 25 : i64, tpu.core_type = #tpu.core_type<sc_vector_subcore>, window_params = [{transform_indices = #map}, {transform_indices = #map1}, {transform_indices = #map1}]} {
    %mul3A = arith.constant 2 : i32
    %mul3A_0 = arith.muli %arg1, %mul3A : i32
    %add3A = arith.addi %mul3A_0, %arg0 : i32
    %mul3A_1 = arith.constant 25600 : i32
    %mul3A_2 = arith.muli %add3A, %mul3A_1 : i32
    "tpu.region"() ({
      %run_scoped3A = tpu.sem_alloc : memref<!tpu.dma_semaphore, #tpu.memory_space<semaphore_mem>>
      %dma_start3A_63 = tpu.memref_slice %arg2[%mul3A_2] : memref<819200xi32, #tpu.memory_space<hbm>> -> memref<25600xi32, #tpu.memory_space<hbm>>
      %dma_start3A_64 = tpu.memref_slice %arg2[%mul3A_2] : memref<819200xi32, #tpu.memory_space<hbm>> -> memref<25600xi32, #tpu.memory_space<hbm>>
      tpu.enqueue_dma source(%dma_start3A_64 : memref<25600xi32, #tpu.memory_space<hbm>>) target(%arg5 : memref<25600xi32, #tpu.memory_space<vmem>>) target_semaphore(%run_scoped3A : memref<!tpu.dma_semaphore, #tpu.memory_space<semaphore_mem>>)
      %dma_wait3A_65 = tpu.memref_slice %arg2[%mul3A_2] : memref<819200xi32, #tpu.memory_space<hbm>> -> memref<25600xi32, #tpu.memory_space<hbm>>
      %dma_wait3A_66 = tpu.memref_slice %arg2[%mul3A_2] : memref<819200xi32, #tpu.memory_space<hbm>> -> memref<25600xi32, #tpu.memory_space<hbm>>
      tpu.wait_dma2 semaphore(%run_scoped3A : memref<!tpu.dma_semaphore, #tpu.memory_space<semaphore_mem>>) src(%dma_wait3A_66 : memref<25600xi32, #tpu.memory_space<hbm>>) dst(%arg5 : memref<25600xi32, #tpu.memory_space<vmem>>)
      tpu.yield
    }) : () -> ()
    %dma_start3A = arith.constant 0 : i32
    %dma_start3A_3 = tpu.memref_slice %arg5[%dma_start3A] : memref<25600xi32, #tpu.memory_space<vmem>> -> memref<128xi32, #tpu.memory_space<vmem>>
    %dma_start3A_4 = arith.constant 0 : i32
    %dma_start3A_5 = arith.constant 0 : i32
    %dma_start3A_6 = tpu.memref_slice %arg3[%dma_start3A_4, %dma_start3A_5] : memref<1000000x64xf32, #tpu.memory_space<hbm>> -> memref<1000000x64xf32, #tpu.memory_space<hbm>>
    tpu.enqueue_indirect_dma source(%dma_start3A_6 : memref<1000000x64xf32, #tpu.memory_space<hbm>>) target(%arg6 : memref<128x64xf32, #tpu.memory_space<vmem>>) offsets(%dma_start3A_3 : memref<128xi32, #tpu.memory_space<vmem>>) semaphore(%arg14 : memref<!tpu.dma_semaphore, #tpu.memory_space<semaphore_mem>>)
    %dma_start3A_7 = arith.constant 128 : i32
    %dma_start3A_8 = tpu.memref_slice %arg5[%dma_start3A_7] : memref<25600xi32, #tpu.memory_space<vmem>> -> memref<128xi32, #tpu.memory_space<vmem>>
    %dma_start3A_9 = arith.constant 0 : i32
    %dma_start3A_10 = arith.constant 0 : i32
    %dma_start3A_11 = tpu.memref_slice %arg3[%dma_start3A_9, %dma_start3A_10] : memref<1000000x64xf32, #tpu.memory_space<hbm>> -> memref<1000000x64xf32, #tpu.memory_space<hbm>>
    tpu.enqueue_indirect_dma source(%dma_start3A_11 : memref<1000000x64xf32, #tpu.memory_space<hbm>>) target(%arg7 : memref<128x64xf32, #tpu.memory_space<vmem>>) offsets(%dma_start3A_8 : memref<128xi32, #tpu.memory_space<vmem>>) semaphore(%arg15 : memref<!tpu.dma_semaphore, #tpu.memory_space<semaphore_mem>>)
    %dma_start3A_12 = arith.constant 256 : i32
    %dma_start3A_13 = tpu.memref_slice %arg5[%dma_start3A_12] : memref<25600xi32, #tpu.memory_space<vmem>> -> memref<128xi32, #tpu.memory_space<vmem>>
    %dma_start3A_14 = arith.constant 0 : i32
    %dma_start3A_15 = arith.constant 0 : i32
    %dma_start3A_16 = tpu.memref_slice %arg3[%dma_start3A_14, %dma_start3A_15] : memref<1000000x64xf32, #tpu.memory_space<hbm>> -> memref<1000000x64xf32, #tpu.memory_space<hbm>>
    tpu.enqueue_indirect_dma source(%dma_start3A_16 : memref<1000000x64xf32, #tpu.memory_space<hbm>>) target(%arg8 : memref<128x64xf32, #tpu.memory_space<vmem>>) offsets(%dma_start3A_13 : memref<128xi32, #tpu.memory_space<vmem>>) semaphore(%arg16 : memref<!tpu.dma_semaphore, #tpu.memory_space<semaphore_mem>>)
    %dma_start3A_17 = arith.constant 384 : i32
    %dma_start3A_18 = tpu.memref_slice %arg5[%dma_start3A_17] : memref<25600xi32, #tpu.memory_space<vmem>> -> memref<128xi32, #tpu.memory_space<vmem>>
    %dma_start3A_19 = arith.constant 0 : i32
    %dma_start3A_20 = arith.constant 0 : i32
    %dma_start3A_21 = tpu.memref_slice %arg3[%dma_start3A_19, %dma_start3A_20] : memref<1000000x64xf32, #tpu.memory_space<hbm>> -> memref<1000000x64xf32, #tpu.memory_space<hbm>>
    tpu.enqueue_indirect_dma source(%dma_start3A_21 : memref<1000000x64xf32, #tpu.memory_space<hbm>>) target(%arg9 : memref<128x64xf32, #tpu.memory_space<vmem>>) offsets(%dma_start3A_18 : memref<128xi32, #tpu.memory_space<vmem>>) semaphore(%arg17 : memref<!tpu.dma_semaphore, #tpu.memory_space<semaphore_mem>>)
    %dma_start3A_22 = arith.constant 512 : i32
    %dma_start3A_23 = tpu.memref_slice %arg5[%dma_start3A_22] : memref<25600xi32, #tpu.memory_space<vmem>> -> memref<128xi32, #tpu.memory_space<vmem>>
    %dma_start3A_24 = arith.constant 0 : i32
    %dma_start3A_25 = arith.constant 0 : i32
    %dma_start3A_26 = tpu.memref_slice %arg3[%dma_start3A_24, %dma_start3A_25] : memref<1000000x64xf32, #tpu.memory_space<hbm>> -> memref<1000000x64xf32, #tpu.memory_space<hbm>>
    tpu.enqueue_indirect_dma source(%dma_start3A_26 : memref<1000000x64xf32, #tpu.memory_space<hbm>>) target(%arg10 : memref<128x64xf32, #tpu.memory_space<vmem>>) offsets(%dma_start3A_23 : memref<128xi32, #tpu.memory_space<vmem>>) semaphore(%arg18 : memref<!tpu.dma_semaphore, #tpu.memory_space<semaphore_mem>>)
    %scan3A = arith.constant 0 : i32
    %scan3A_27 = arith.constant 0 : i32
    %scan3A_28 = arith.constant 25 : i32
    %scan3A_29 = arith.addi %scan3A_27, %scan3A_28 : i32
    %scan3A_30 = arith.constant 1 : i32
    scf.for %scan3A_63 = %scan3A_27 to %scan3A_29 step %scan3A_30  : i32 {
      %mul3A_64 = arith.constant 8 : i32
      %mul3A_65 = arith.muli %scan3A_63, %mul3A_64 : i32
      %add3A_66 = arith.constant 0 : i32
      %add3A_67 = arith.addi %mul3A_65, %add3A_66 : i32
      %add3A_68 = arith.constant 5 : i32
      %add3A_69 = arith.addi %add3A_67, %add3A_68 : i32
      %ge3A = arith.constant 8 : i32
      %ge3A_70 = arith.cmpi sge, %add3A_69, %ge3A : i32
      %lt3A = arith.constant 200 : i32
      %lt3A_71 = arith.cmpi slt, %add3A_69, %lt3A : i32
      %and3A = arith.andi %ge3A_70, %lt3A_71 : i1
      %convert_element_type3A = arith.extui %and3A : i1 to i32
      %cond3A = arith.constant 0 : i32
      %cond3A_72 = arith.cmpi ne, %convert_element_type3A, %cond3A : i32
      scf.if %cond3A_72 {
        %dma_wait3A_315 = arith.constant 0 : i32
        %dma_wait3A_316 = tpu.memref_slice %arg4[%mul3A_2, %dma_wait3A_315] : memref<819200x128xf32, #tpu.memory_space<hbm>> -> memref<128x64xf32, #tpu.memory_space<hbm>>
        %dma_wait3A_317 = arith.constant 0 : i32
        %dma_wait3A_318 = tpu.memref_slice %arg4[%mul3A_2, %dma_wait3A_317] : memref<819200x128xf32, #tpu.memory_space<hbm>> -> memref<128x64xf32, #tpu.memory_space<hbm>>
        tpu.wait_dma2 semaphore(%arg27 : memref<!tpu.dma_semaphore, #tpu.memory_space<semaphore_mem>>) src(%arg11 : memref<128x64xf32, #tpu.memory_space<vmem>>) dst(%dma_wait3A_318 : memref<128x64xf32, #tpu.memory_space<hbm>>)
      } else {
      }
      %lt3A_73 = arith.constant 200 : i32
      %lt3A_74 = arith.cmpi slt, %add3A_69, %lt3A_73 : i32
      %convert_element_type3A_75 = arith.extui %lt3A_74 : i1 to i32
      %cond3A_76 = arith.constant 0 : i32
      %cond3A_77 = arith.cmpi ne, %convert_element_type3A_75, %cond3A_76 : i32
      scf.if %cond3A_77 {
        %mul3A_315 = arith.constant 128 : i32
        %mul3A_316 = arith.muli %add3A_69, %mul3A_315 : i32
        %dma_start3A_317 = tpu.memref_slice %arg5[%mul3A_316] : memref<25600xi32, #tpu.memory_space<vmem>> -> memref<128xi32, #tpu.memory_space<vmem>>
        %dma_start3A_318 = arith.constant 0 : i32
        %dma_start3A_319 = arith.constant 0 : i32
        %dma_start3A_320 = tpu.memref_slice %arg3[%dma_start3A_318, %dma_start3A_319] : memref<1000000x64xf32, #tpu.memory_space<hbm>> -> memref<1000000x64xf32, #tpu.memory_space<hbm>>
        tpu.enqueue_indirect_dma source(%dma_start3A_320 : memref<1000000x64xf32, #tpu.memory_space<hbm>>) target(%arg11 : memref<128x64xf32, #tpu.memory_space<vmem>>) offsets(%dma_start3A_317 : memref<128xi32, #tpu.memory_space<vmem>>) semaphore(%arg19 : memref<!tpu.dma_semaphore, #tpu.memory_space<semaphore_mem>>)
      } else {
      }
      %mul3A_78 = arith.constant 128 : i32
      %mul3A_79 = arith.muli %add3A_67, %mul3A_78 : i32
      %dma_wait3A_80 = tpu.memref_slice %arg5[%mul3A_79] : memref<25600xi32, #tpu.memory_space<vmem>> -> memref<128xi32, #tpu.memory_space<vmem>>
      %dma_wait3A_81 = arith.constant 0 : i32
      %dma_wait3A_82 = arith.constant 0 : i32
      %dma_wait3A_83 = tpu.memref_slice %arg3[%dma_wait3A_81, %dma_wait3A_82] : memref<1000000x64xf32, #tpu.memory_space<hbm>> -> memref<1000000x64xf32, #tpu.memory_space<hbm>>
      tpu.wait_indirect_dma semaphore(%arg14 : memref<!tpu.dma_semaphore, #tpu.memory_space<semaphore_mem>>) src(%dma_wait3A_83 : memref<1000000x64xf32, #tpu.memory_space<hbm>>) dst(%arg6 : memref<128x64xf32, #tpu.memory_space<vmem>>)
      %mul3A_84 = arith.constant 128 : i32
      %mul3A_85 = arith.muli %add3A_67, %mul3A_84 : i32
      %add3A_86 = arith.addi %mul3A_2, %mul3A_85 : i32
      %dma_start3A_87 = arith.constant 0 : i32
      %dma_start3A_88 = tpu.memref_slice %arg4[%add3A_86, %dma_start3A_87] : memref<819200x128xf32, #tpu.memory_space<hbm>> -> memref<128x64xf32, #tpu.memory_space<hbm>>
      %dma_start3A_89 = arith.constant 0 : i32
      %dma_start3A_90 = tpu.memref_slice %arg4[%add3A_86, %dma_start3A_89] : memref<819200x128xf32, #tpu.memory_space<hbm>> -> memref<128x64xf32, #tpu.memory_space<hbm>>
      tpu.enqueue_dma source(%arg6 : memref<128x64xf32, #tpu.memory_space<vmem>>) target(%dma_start3A_90 : memref<128x64xf32, #tpu.memory_space<hbm>>) target_semaphore(%arg22 : memref<!tpu.dma_semaphore, #tpu.memory_space<semaphore_mem>>)
      %mul3A_91 = arith.constant 8 : i32
      %mul3A_92 = arith.muli %scan3A_63, %mul3A_91 : i32
      %add3A_93 = arith.constant 1 : i32
      %add3A_94 = arith.addi %mul3A_92, %add3A_93 : i32
      %add3A_95 = arith.constant 5 : i32
      %add3A_96 = arith.addi %add3A_94, %add3A_95 : i32
      %ge3A_97 = arith.constant 8 : i32
      %ge3A_98 = arith.cmpi sge, %add3A_96, %ge3A_97 : i32
      %lt3A_99 = arith.constant 200 : i32
      %lt3A_100 = arith.cmpi slt, %add3A_96, %lt3A_99 : i32
      %and3A_101 = arith.andi %ge3A_98, %lt3A_100 : i1
      %convert_element_type3A_102 = arith.extui %and3A_101 : i1 to i32
      %cond3A_103 = arith.constant 0 : i32
      %cond3A_104 = arith.cmpi ne, %convert_element_type3A_102, %cond3A_103 : i32
      scf.if %cond3A_104 {
        %dma_wait3A_315 = arith.constant 0 : i32
        %dma_wait3A_316 = tpu.memref_slice %arg4[%mul3A_2, %dma_wait3A_315] : memref<819200x128xf32, #tpu.memory_space<hbm>> -> memref<128x64xf32, #tpu.memory_space<hbm>>
        %dma_wait3A_317 = arith.constant 0 : i32
        %dma_wait3A_318 = tpu.memref_slice %arg4[%mul3A_2, %dma_wait3A_317] : memref<819200x128xf32, #tpu.memory_space<hbm>> -> memref<128x64xf32, #tpu.memory_space<hbm>>
        tpu.wait_dma2 semaphore(%arg28 : memref<!tpu.dma_semaphore, #tpu.memory_space<semaphore_mem>>) src(%arg12 : memref<128x64xf32, #tpu.memory_space<vmem>>) dst(%dma_wait3A_318 : memref<128x64xf32, #tpu.memory_space<hbm>>)
      } else {
      }
      %lt3A_105 = arith.constant 200 : i32
      %lt3A_106 = arith.cmpi slt, %add3A_96, %lt3A_105 : i32
      %convert_element_type3A_107 = arith.extui %lt3A_106 : i1 to i32
      %cond3A_108 = arith.constant 0 : i32
      %cond3A_109 = arith.cmpi ne, %convert_element_type3A_107, %cond3A_108 : i32
      scf.if %cond3A_109 {
        %mul3A_315 = arith.constant 128 : i32
        %mul3A_316 = arith.muli %add3A_96, %mul3A_315 : i32
        %dma_start3A_317 = tpu.memref_slice %arg5[%mul3A_316] : memref<25600xi32, #tpu.memory_space<vmem>> -> memref<128xi32, #tpu.memory_space<vmem>>
        %dma_start3A_318 = arith.constant 0 : i32
        %dma_start3A_319 = arith.constant 0 : i32
        %dma_start3A_320 = tpu.memref_slice %arg3[%dma_start3A_318, %dma_start3A_319] : memref<1000000x64xf32, #tpu.memory_space<hbm>> -> memref<1000000x64xf32, #tpu.memory_space<hbm>>
        tpu.enqueue_indirect_dma source(%dma_start3A_320 : memref<1000000x64xf32, #tpu.memory_space<hbm>>) target(%arg12 : memref<128x64xf32, #tpu.memory_space<vmem>>) offsets(%dma_start3A_317 : memref<128xi32, #tpu.memory_space<vmem>>) semaphore(%arg20 : memref<!tpu.dma_semaphore, #tpu.memory_space<semaphore_mem>>)
      } else {
      }
      %mul3A_110 = arith.constant 128 : i32
      %mul3A_111 = arith.muli %add3A_94, %mul3A_110 : i32
      %dma_wait3A_112 = tpu.memref_slice %arg5[%mul3A_111] : memref<25600xi32, #tpu.memory_space<vmem>> -> memref<128xi32, #tpu.memory_space<vmem>>
      %dma_wait3A_113 = arith.constant 0 : i32
      %dma_wait3A_114 = arith.constant 0 : i32
      %dma_wait3A_115 = tpu.memref_slice %arg3[%dma_wait3A_113, %dma_wait3A_114] : memref<1000000x64xf32, #tpu.memory_space<hbm>> -> memref<1000000x64xf32, #tpu.memory_space<hbm>>
      tpu.wait_indirect_dma semaphore(%arg15 : memref<!tpu.dma_semaphore, #tpu.memory_space<semaphore_mem>>) src(%dma_wait3A_115 : memref<1000000x64xf32, #tpu.memory_space<hbm>>) dst(%arg7 : memref<128x64xf32, #tpu.memory_space<vmem>>)
      %mul3A_116 = arith.constant 128 : i32
      %mul3A_117 = arith.muli %add3A_94, %mul3A_116 : i32
      %add3A_118 = arith.addi %mul3A_2, %mul3A_117 : i32
      %dma_start3A_119 = arith.constant 0 : i32
      %dma_start3A_120 = tpu.memref_slice %arg4[%add3A_118, %dma_start3A_119] : memref<819200x128xf32, #tpu.memory_space<hbm>> -> memref<128x64xf32, #tpu.memory_space<hbm>>
      %dma_start3A_121 = arith.constant 0 : i32
      %dma_start3A_122 = tpu.memref_slice %arg4[%add3A_118, %dma_start3A_121] : memref<819200x128xf32, #tpu.memory_space<hbm>> -> memref<128x64xf32, #tpu.memory_space<hbm>>
      tpu.enqueue_dma source(%arg7 : memref<128x64xf32, #tpu.memory_space<vmem>>) target(%dma_start3A_122 : memref<128x64xf32, #tpu.memory_space<hbm>>) target_semaphore(%arg23 : memref<!tpu.dma_semaphore, #tpu.memory_space<semaphore_mem>>)
      %mul3A_123 = arith.constant 8 : i32
      %mul3A_124 = arith.muli %scan3A_63, %mul3A_123 : i32
      %add3A_125 = arith.constant 2 : i32
      %add3A_126 = arith.addi %mul3A_124, %add3A_125 : i32
      %add3A_127 = arith.constant 5 : i32
      %add3A_128 = arith.addi %add3A_126, %add3A_127 : i32
      %ge3A_129 = arith.constant 8 : i32
      %ge3A_130 = arith.cmpi sge, %add3A_128, %ge3A_129 : i32
      %lt3A_131 = arith.constant 200 : i32
      %lt3A_132 = arith.cmpi slt, %add3A_128, %lt3A_131 : i32
      %and3A_133 = arith.andi %ge3A_130, %lt3A_132 : i1
      %convert_element_type3A_134 = arith.extui %and3A_133 : i1 to i32
      %cond3A_135 = arith.constant 0 : i32
      %cond3A_136 = arith.cmpi ne, %convert_element_type3A_134, %cond3A_135 : i32
      scf.if %cond3A_136 {
        %dma_wait3A_315 = arith.constant 0 : i32
        %dma_wait3A_316 = tpu.memref_slice %arg4[%mul3A_2, %dma_wait3A_315] : memref<819200x128xf32, #tpu.memory_space<hbm>> -> memref<128x64xf32, #tpu.memory_space<hbm>>
        %dma_wait3A_317 = arith.constant 0 : i32
        %dma_wait3A_318 = tpu.memref_slice %arg4[%mul3A_2, %dma_wait3A_317] : memref<819200x128xf32, #tpu.memory_space<hbm>> -> memref<128x64xf32, #tpu.memory_space<hbm>>
        tpu.wait_dma2 semaphore(%arg29 : memref<!tpu.dma_semaphore, #tpu.memory_space<semaphore_mem>>) src(%arg13 : memref<128x64xf32, #tpu.memory_space<vmem>>) dst(%dma_wait3A_318 : memref<128x64xf32, #tpu.memory_space<hbm>>)
      } else {
      }
      %lt3A_137 = arith.constant 200 : i32
      %lt3A_138 = arith.cmpi slt, %add3A_128, %lt3A_137 : i32
      %convert_element_type3A_139 = arith.extui %lt3A_138 : i1 to i32
      %cond3A_140 = arith.constant 0 : i32
      %cond3A_141 = arith.cmpi ne, %convert_element_type3A_139, %cond3A_140 : i32
      scf.if %cond3A_141 {
        %mul3A_315 = arith.constant 128 : i32
        %mul3A_316 = arith.muli %add3A_128, %mul3A_315 : i32
        %dma_start3A_317 = tpu.memref_slice %arg5[%mul3A_316] : memref<25600xi32, #tpu.memory_space<vmem>> -> memref<128xi32, #tpu.memory_space<vmem>>
        %dma_start3A_318 = arith.constant 0 : i32
        %dma_start3A_319 = arith.constant 0 : i32
        %dma_start3A_320 = tpu.memref_slice %arg3[%dma_start3A_318, %dma_start3A_319] : memref<1000000x64xf32, #tpu.memory_space<hbm>> -> memref<1000000x64xf32, #tpu.memory_space<hbm>>
        tpu.enqueue_indirect_dma source(%dma_start3A_320 : memref<1000000x64xf32, #tpu.memory_space<hbm>>) target(%arg13 : memref<128x64xf32, #tpu.memory_space<vmem>>) offsets(%dma_start3A_317 : memref<128xi32, #tpu.memory_space<vmem>>) semaphore(%arg21 : memref<!tpu.dma_semaphore, #tpu.memory_space<semaphore_mem>>)
      } else {
      }
      %mul3A_142 = arith.constant 128 : i32
      %mul3A_143 = arith.muli %add3A_126, %mul3A_142 : i32
      %dma_wait3A_144 = tpu.memref_slice %arg5[%mul3A_143] : memref<25600xi32, #tpu.memory_space<vmem>> -> memref<128xi32, #tpu.memory_space<vmem>>
      %dma_wait3A_145 = arith.constant 0 : i32
      %dma_wait3A_146 = arith.constant 0 : i32
      %dma_wait3A_147 = tpu.memref_slice %arg3[%dma_wait3A_145, %dma_wait3A_146] : memref<1000000x64xf32, #tpu.memory_space<hbm>> -> memref<1000000x64xf32, #tpu.memory_space<hbm>>
      tpu.wait_indirect_dma semaphore(%arg16 : memref<!tpu.dma_semaphore, #tpu.memory_space<semaphore_mem>>) src(%dma_wait3A_147 : memref<1000000x64xf32, #tpu.memory_space<hbm>>) dst(%arg8 : memref<128x64xf32, #tpu.memory_space<vmem>>)
      %mul3A_148 = arith.constant 128 : i32
      %mul3A_149 = arith.muli %add3A_126, %mul3A_148 : i32
      %add3A_150 = arith.addi %mul3A_2, %mul3A_149 : i32
      %dma_start3A_151 = arith.constant 0 : i32
      %dma_start3A_152 = tpu.memref_slice %arg4[%add3A_150, %dma_start3A_151] : memref<819200x128xf32, #tpu.memory_space<hbm>> -> memref<128x64xf32, #tpu.memory_space<hbm>>
      %dma_start3A_153 = arith.constant 0 : i32
      %dma_start3A_154 = tpu.memref_slice %arg4[%add3A_150, %dma_start3A_153] : memref<819200x128xf32, #tpu.memory_space<hbm>> -> memref<128x64xf32, #tpu.memory_space<hbm>>
      tpu.enqueue_dma source(%arg8 : memref<128x64xf32, #tpu.memory_space<vmem>>) target(%dma_start3A_154 : memref<128x64xf32, #tpu.memory_space<hbm>>) target_semaphore(%arg24 : memref<!tpu.dma_semaphore, #tpu.memory_space<semaphore_mem>>)
      %mul3A_155 = arith.constant 8 : i32
      %mul3A_156 = arith.muli %scan3A_63, %mul3A_155 : i32
      %add3A_157 = arith.constant 3 : i32
      %add3A_158 = arith.addi %mul3A_156, %add3A_157 : i32
      %add3A_159 = arith.constant 5 : i32
      %add3A_160 = arith.addi %add3A_158, %add3A_159 : i32
      %ge3A_161 = arith.constant 8 : i32
      %ge3A_162 = arith.cmpi sge, %add3A_160, %ge3A_161 : i32
      %lt3A_163 = arith.constant 200 : i32
      %lt3A_164 = arith.cmpi slt, %add3A_160, %lt3A_163 : i32
      %and3A_165 = arith.andi %ge3A_162, %lt3A_164 : i1
      %convert_element_type3A_166 = arith.extui %and3A_165 : i1 to i32
      %cond3A_167 = arith.constant 0 : i32
      %cond3A_168 = arith.cmpi ne, %convert_element_type3A_166, %cond3A_167 : i32
      scf.if %cond3A_168 {
        %dma_wait3A_315 = arith.constant 0 : i32
        %dma_wait3A_316 = tpu.memref_slice %arg4[%mul3A_2, %dma_wait3A_315] : memref<819200x128xf32, #tpu.memory_space<hbm>> -> memref<128x64xf32, #tpu.memory_space<hbm>>
        %dma_wait3A_317 = arith.constant 0 : i32
        %dma_wait3A_318 = tpu.memref_slice %arg4[%mul3A_2, %dma_wait3A_317] : memref<819200x128xf32, #tpu.memory_space<hbm>> -> memref<128x64xf32, #tpu.memory_space<hbm>>
        tpu.wait_dma2 semaphore(%arg22 : memref<!tpu.dma_semaphore, #tpu.memory_space<semaphore_mem>>) src(%arg6 : memref<128x64xf32, #tpu.memory_space<vmem>>) dst(%dma_wait3A_318 : memref<128x64xf32, #tpu.memory_space<hbm>>)
      } else {
      }
      %lt3A_169 = arith.constant 200 : i32
      %lt3A_170 = arith.cmpi slt, %add3A_160, %lt3A_169 : i32
      %convert_element_type3A_171 = arith.extui %lt3A_170 : i1 to i32
      %cond3A_172 = arith.constant 0 : i32
      %cond3A_173 = arith.cmpi ne, %convert_element_type3A_171, %cond3A_172 : i32
      scf.if %cond3A_173 {
        %mul3A_315 = arith.constant 128 : i32
        %mul3A_316 = arith.muli %add3A_160, %mul3A_315 : i32
        %dma_start3A_317 = tpu.memref_slice %arg5[%mul3A_316] : memref<25600xi32, #tpu.memory_space<vmem>> -> memref<128xi32, #tpu.memory_space<vmem>>
        %dma_start3A_318 = arith.constant 0 : i32
        %dma_start3A_319 = arith.constant 0 : i32
        %dma_start3A_320 = tpu.memref_slice %arg3[%dma_start3A_318, %dma_start3A_319] : memref<1000000x64xf32, #tpu.memory_space<hbm>> -> memref<1000000x64xf32, #tpu.memory_space<hbm>>
        tpu.enqueue_indirect_dma source(%dma_start3A_320 : memref<1000000x64xf32, #tpu.memory_space<hbm>>) target(%arg6 : memref<128x64xf32, #tpu.memory_space<vmem>>) offsets(%dma_start3A_317 : memref<128xi32, #tpu.memory_space<vmem>>) semaphore(%arg14 : memref<!tpu.dma_semaphore, #tpu.memory_space<semaphore_mem>>)
      } else {
      }
      %mul3A_174 = arith.constant 128 : i32
      %mul3A_175 = arith.muli %add3A_158, %mul3A_174 : i32
      %dma_wait3A_176 = tpu.memref_slice %arg5[%mul3A_175] : memref<25600xi32, #tpu.memory_space<vmem>> -> memref<128xi32, #tpu.memory_space<vmem>>
      %dma_wait3A_177 = arith.constant 0 : i32
      %dma_wait3A_178 = arith.constant 0 : i32
      %dma_wait3A_179 = tpu.memref_slice %arg3[%dma_wait3A_177, %dma_wait3A_178] : memref<1000000x64xf32, #tpu.memory_space<hbm>> -> memref<1000000x64xf32, #tpu.memory_space<hbm>>
      tpu.wait_indirect_dma semaphore(%arg17 : memref<!tpu.dma_semaphore, #tpu.memory_space<semaphore_mem>>) src(%dma_wait3A_179 : memref<1000000x64xf32, #tpu.memory_space<hbm>>) dst(%arg9 : memref<128x64xf32, #tpu.memory_space<vmem>>)
      %mul3A_180 = arith.constant 128 : i32
      %mul3A_181 = arith.muli %add3A_158, %mul3A_180 : i32
      %add3A_182 = arith.addi %mul3A_2, %mul3A_181 : i32
      %dma_start3A_183 = arith.constant 0 : i32
      %dma_start3A_184 = tpu.memref_slice %arg4[%add3A_182, %dma_start3A_183] : memref<819200x128xf32, #tpu.memory_space<hbm>> -> memref<128x64xf32, #tpu.memory_space<hbm>>
      %dma_start3A_185 = arith.constant 0 : i32
      %dma_start3A_186 = tpu.memref_slice %arg4[%add3A_182, %dma_start3A_185] : memref<819200x128xf32, #tpu.memory_space<hbm>> -> memref<128x64xf32, #tpu.memory_space<hbm>>
      tpu.enqueue_dma source(%arg9 : memref<128x64xf32, #tpu.memory_space<vmem>>) target(%dma_start3A_186 : memref<128x64xf32, #tpu.memory_space<hbm>>) target_semaphore(%arg25 : memref<!tpu.dma_semaphore, #tpu.memory_space<semaphore_mem>>)
      %mul3A_187 = arith.constant 8 : i32
      %mul3A_188 = arith.muli %scan3A_63, %mul3A_187 : i32
      %add3A_189 = arith.constant 4 : i32
      %add3A_190 = arith.addi %mul3A_188, %add3A_189 : i32
      %add3A_191 = arith.constant 5 : i32
      %add3A_192 = arith.addi %add3A_190, %add3A_191 : i32
      %ge3A_193 = arith.constant 8 : i32
      %ge3A_194 = arith.cmpi sge, %add3A_192, %ge3A_193 : i32
      %lt3A_195 = arith.constant 200 : i32
      %lt3A_196 = arith.cmpi slt, %add3A_192, %lt3A_195 : i32
      %and3A_197 = arith.andi %ge3A_194, %lt3A_196 : i1
      %convert_element_type3A_198 = arith.extui %and3A_197 : i1 to i32
      %cond3A_199 = arith.constant 0 : i32
      %cond3A_200 = arith.cmpi ne, %convert_element_type3A_198, %cond3A_199 : i32
      scf.if %cond3A_200 {
        %dma_wait3A_315 = arith.constant 0 : i32
        %dma_wait3A_316 = tpu.memref_slice %arg4[%mul3A_2, %dma_wait3A_315] : memref<819200x128xf32, #tpu.memory_space<hbm>> -> memref<128x64xf32, #tpu.memory_space<hbm>>
        %dma_wait3A_317 = arith.constant 0 : i32
        %dma_wait3A_318 = tpu.memref_slice %arg4[%mul3A_2, %dma_wait3A_317] : memref<819200x128xf32, #tpu.memory_space<hbm>> -> memref<128x64xf32, #tpu.memory_space<hbm>>
        tpu.wait_dma2 semaphore(%arg23 : memref<!tpu.dma_semaphore, #tpu.memory_space<semaphore_mem>>) src(%arg7 : memref<128x64xf32, #tpu.memory_space<vmem>>) dst(%dma_wait3A_318 : memref<128x64xf32, #tpu.memory_space<hbm>>)
      } else {
      }
      %lt3A_201 = arith.constant 200 : i32
      %lt3A_202 = arith.cmpi slt, %add3A_192, %lt3A_201 : i32
      %convert_element_type3A_203 = arith.extui %lt3A_202 : i1 to i32
      %cond3A_204 = arith.constant 0 : i32
      %cond3A_205 = arith.cmpi ne, %convert_element_type3A_203, %cond3A_204 : i32
      scf.if %cond3A_205 {
        %mul3A_315 = arith.constant 128 : i32
        %mul3A_316 = arith.muli %add3A_192, %mul3A_315 : i32
        %dma_start3A_317 = tpu.memref_slice %arg5[%mul3A_316] : memref<25600xi32, #tpu.memory_space<vmem>> -> memref<128xi32, #tpu.memory_space<vmem>>
        %dma_start3A_318 = arith.constant 0 : i32
        %dma_start3A_319 = arith.constant 0 : i32
        %dma_start3A_320 = tpu.memref_slice %arg3[%dma_start3A_318, %dma_start3A_319] : memref<1000000x64xf32, #tpu.memory_space<hbm>> -> memref<1000000x64xf32, #tpu.memory_space<hbm>>
        tpu.enqueue_indirect_dma source(%dma_start3A_320 : memref<1000000x64xf32, #tpu.memory_space<hbm>>) target(%arg7 : memref<128x64xf32, #tpu.memory_space<vmem>>) offsets(%dma_start3A_317 : memref<128xi32, #tpu.memory_space<vmem>>) semaphore(%arg15 : memref<!tpu.dma_semaphore, #tpu.memory_space<semaphore_mem>>)
      } else {
      }
      %mul3A_206 = arith.constant 128 : i32
      %mul3A_207 = arith.muli %add3A_190, %mul3A_206 : i32
      %dma_wait3A_208 = tpu.memref_slice %arg5[%mul3A_207] : memref<25600xi32, #tpu.memory_space<vmem>> -> memref<128xi32, #tpu.memory_space<vmem>>
      %dma_wait3A_209 = arith.constant 0 : i32
      %dma_wait3A_210 = arith.constant 0 : i32
      %dma_wait3A_211 = tpu.memref_slice %arg3[%dma_wait3A_209, %dma_wait3A_210] : memref<1000000x64xf32, #tpu.memory_space<hbm>> -> memref<1000000x64xf32, #tpu.memory_space<hbm>>
      tpu.wait_indirect_dma semaphore(%arg18 : memref<!tpu.dma_semaphore, #tpu.memory_space<semaphore_mem>>) src(%dma_wait3A_211 : memref<1000000x64xf32, #tpu.memory_space<hbm>>) dst(%arg10 : memref<128x64xf32, #tpu.memory_space<vmem>>)
      %mul3A_212 = arith.constant 128 : i32
      %mul3A_213 = arith.muli %add3A_190, %mul3A_212 : i32
      %add3A_214 = arith.addi %mul3A_2, %mul3A_213 : i32
      %dma_start3A_215 = arith.constant 0 : i32
      %dma_start3A_216 = tpu.memref_slice %arg4[%add3A_214, %dma_start3A_215] : memref<819200x128xf32, #tpu.memory_space<hbm>> -> memref<128x64xf32, #tpu.memory_space<hbm>>
      %dma_start3A_217 = arith.constant 0 : i32
      %dma_start3A_218 = tpu.memref_slice %arg4[%add3A_214, %dma_start3A_217] : memref<819200x128xf32, #tpu.memory_space<hbm>> -> memref<128x64xf32, #tpu.memory_space<hbm>>
      tpu.enqueue_dma source(%arg10 : memref<128x64xf32, #tpu.memory_space<vmem>>) target(%dma_start3A_218 : memref<128x64xf32, #tpu.memory_space<hbm>>) target_semaphore(%arg26 : memref<!tpu.dma_semaphore, #tpu.memory_space<semaphore_mem>>)
      %mul3A_219 = arith.constant 8 : i32
      %mul3A_220 = arith.muli %scan3A_63, %mul3A_219 : i32
      %add3A_221 = arith.constant 5 : i32
      %add3A_222 = arith.addi %mul3A_220, %add3A_221 : i32
      %add3A_223 = arith.constant 5 : i32
      %add3A_224 = arith.addi %add3A_222, %add3A_223 : i32
      %ge3A_225 = arith.constant 8 : i32
      %ge3A_226 = arith.cmpi sge, %add3A_224, %ge3A_225 : i32
      %lt3A_227 = arith.constant 200 : i32
      %lt3A_228 = arith.cmpi slt, %add3A_224, %lt3A_227 : i32
      %and3A_229 = arith.andi %ge3A_226, %lt3A_228 : i1
      %convert_element_type3A_230 = arith.extui %and3A_229 : i1 to i32
      %cond3A_231 = arith.constant 0 : i32
      %cond3A_232 = arith.cmpi ne, %convert_element_type3A_230, %cond3A_231 : i32
      scf.if %cond3A_232 {
        %dma_wait3A_315 = arith.constant 0 : i32
        %dma_wait3A_316 = tpu.memref_slice %arg4[%mul3A_2, %dma_wait3A_315] : memref<819200x128xf32, #tpu.memory_space<hbm>> -> memref<128x64xf32, #tpu.memory_space<hbm>>
        %dma_wait3A_317 = arith.constant 0 : i32
        %dma_wait3A_318 = tpu.memref_slice %arg4[%mul3A_2, %dma_wait3A_317] : memref<819200x128xf32, #tpu.memory_space<hbm>> -> memref<128x64xf32, #tpu.memory_space<hbm>>
        tpu.wait_dma2 semaphore(%arg24 : memref<!tpu.dma_semaphore, #tpu.memory_space<semaphore_mem>>) src(%arg8 : memref<128x64xf32, #tpu.memory_space<vmem>>) dst(%dma_wait3A_318 : memref<128x64xf32, #tpu.memory_space<hbm>>)
      } else {
      }
      %lt3A_233 = arith.constant 200 : i32
      %lt3A_234 = arith.cmpi slt, %add3A_224, %lt3A_233 : i32
      %convert_element_type3A_235 = arith.extui %lt3A_234 : i1 to i32
      %cond3A_236 = arith.constant 0 : i32
      %cond3A_237 = arith.cmpi ne, %convert_element_type3A_235, %cond3A_236 : i32
      scf.if %cond3A_237 {
        %mul3A_315 = arith.constant 128 : i32
        %mul3A_316 = arith.muli %add3A_224, %mul3A_315 : i32
        %dma_start3A_317 = tpu.memref_slice %arg5[%mul3A_316] : memref<25600xi32, #tpu.memory_space<vmem>> -> memref<128xi32, #tpu.memory_space<vmem>>
        %dma_start3A_318 = arith.constant 0 : i32
        %dma_start3A_319 = arith.constant 0 : i32
        %dma_start3A_320 = tpu.memref_slice %arg3[%dma_start3A_318, %dma_start3A_319] : memref<1000000x64xf32, #tpu.memory_space<hbm>> -> memref<1000000x64xf32, #tpu.memory_space<hbm>>
        tpu.enqueue_indirect_dma source(%dma_start3A_320 : memref<1000000x64xf32, #tpu.memory_space<hbm>>) target(%arg8 : memref<128x64xf32, #tpu.memory_space<vmem>>) offsets(%dma_start3A_317 : memref<128xi32, #tpu.memory_space<vmem>>) semaphore(%arg16 : memref<!tpu.dma_semaphore, #tpu.memory_space<semaphore_mem>>)
      } else {
      }
      %mul3A_238 = arith.constant 128 : i32
      %mul3A_239 = arith.muli %add3A_222, %mul3A_238 : i32
      %dma_wait3A_240 = tpu.memref_slice %arg5[%mul3A_239] : memref<25600xi32, #tpu.memory_space<vmem>> -> memref<128xi32, #tpu.memory_space<vmem>>
      %dma_wait3A_241 = arith.constant 0 : i32
      %dma_wait3A_242 = arith.constant 0 : i32
      %dma_wait3A_243 = tpu.memref_slice %arg3[%dma_wait3A_241, %dma_wait3A_242] : memref<1000000x64xf32, #tpu.memory_space<hbm>> -> memref<1000000x64xf32, #tpu.memory_space<hbm>>
      tpu.wait_indirect_dma semaphore(%arg19 : memref<!tpu.dma_semaphore, #tpu.memory_space<semaphore_mem>>) src(%dma_wait3A_243 : memref<1000000x64xf32, #tpu.memory_space<hbm>>) dst(%arg11 : memref<128x64xf32, #tpu.memory_space<vmem>>)
      %mul3A_244 = arith.constant 128 : i32
      %mul3A_245 = arith.muli %add3A_222, %mul3A_244 : i32
      %add3A_246 = arith.addi %mul3A_2, %mul3A_245 : i32
      %dma_start3A_247 = arith.constant 0 : i32
      %dma_start3A_248 = tpu.memref_slice %arg4[%add3A_246, %dma_start3A_247] : memref<819200x128xf32, #tpu.memory_space<hbm>> -> memref<128x64xf32, #tpu.memory_space<hbm>>
      %dma_start3A_249 = arith.constant 0 : i32
      %dma_start3A_250 = tpu.memref_slice %arg4[%add3A_246, %dma_start3A_249] : memref<819200x128xf32, #tpu.memory_space<hbm>> -> memref<128x64xf32, #tpu.memory_space<hbm>>
      tpu.enqueue_dma source(%arg11 : memref<128x64xf32, #tpu.memory_space<vmem>>) target(%dma_start3A_250 : memref<128x64xf32, #tpu.memory_space<hbm>>) target_semaphore(%arg27 : memref<!tpu.dma_semaphore, #tpu.memory_space<semaphore_mem>>)
      %mul3A_251 = arith.constant 8 : i32
      %mul3A_252 = arith.muli %scan3A_63, %mul3A_251 : i32
      %add3A_253 = arith.constant 6 : i32
      %add3A_254 = arith.addi %mul3A_252, %add3A_253 : i32
      %add3A_255 = arith.constant 5 : i32
      %add3A_256 = arith.addi %add3A_254, %add3A_255 : i32
      %ge3A_257 = arith.constant 8 : i32
      %ge3A_258 = arith.cmpi sge, %add3A_256, %ge3A_257 : i32
      %lt3A_259 = arith.constant 200 : i32
      %lt3A_260 = arith.cmpi slt, %add3A_256, %lt3A_259 : i32
      %and3A_261 = arith.andi %ge3A_258, %lt3A_260 : i1
      %convert_element_type3A_262 = arith.extui %and3A_261 : i1 to i32
      %cond3A_263 = arith.constant 0 : i32
      %cond3A_264 = arith.cmpi ne, %convert_element_type3A_262, %cond3A_263 : i32
      scf.if %cond3A_264 {
        %dma_wait3A_315 = arith.constant 0 : i32
        %dma_wait3A_316 = tpu.memref_slice %arg4[%mul3A_2, %dma_wait3A_315] : memref<819200x128xf32, #tpu.memory_space<hbm>> -> memref<128x64xf32, #tpu.memory_space<hbm>>
        %dma_wait3A_317 = arith.constant 0 : i32
        %dma_wait3A_318 = tpu.memref_slice %arg4[%mul3A_2, %dma_wait3A_317] : memref<819200x128xf32, #tpu.memory_space<hbm>> -> memref<128x64xf32, #tpu.memory_space<hbm>>
        tpu.wait_dma2 semaphore(%arg25 : memref<!tpu.dma_semaphore, #tpu.memory_space<semaphore_mem>>) src(%arg9 : memref<128x64xf32, #tpu.memory_space<vmem>>) dst(%dma_wait3A_318 : memref<128x64xf32, #tpu.memory_space<hbm>>)
      } else {
      }
      %lt3A_265 = arith.constant 200 : i32
      %lt3A_266 = arith.cmpi slt, %add3A_256, %lt3A_265 : i32
      %convert_element_type3A_267 = arith.extui %lt3A_266 : i1 to i32
      %cond3A_268 = arith.constant 0 : i32
      %cond3A_269 = arith.cmpi ne, %convert_element_type3A_267, %cond3A_268 : i32
      scf.if %cond3A_269 {
        %mul3A_315 = arith.constant 128 : i32
        %mul3A_316 = arith.muli %add3A_256, %mul3A_315 : i32
        %dma_start3A_317 = tpu.memref_slice %arg5[%mul3A_316] : memref<25600xi32, #tpu.memory_space<vmem>> -> memref<128xi32, #tpu.memory_space<vmem>>
        %dma_start3A_318 = arith.constant 0 : i32
        %dma_start3A_319 = arith.constant 0 : i32
        %dma_start3A_320 = tpu.memref_slice %arg3[%dma_start3A_318, %dma_start3A_319] : memref<1000000x64xf32, #tpu.memory_space<hbm>> -> memref<1000000x64xf32, #tpu.memory_space<hbm>>
        tpu.enqueue_indirect_dma source(%dma_start3A_320 : memref<1000000x64xf32, #tpu.memory_space<hbm>>) target(%arg9 : memref<128x64xf32, #tpu.memory_space<vmem>>) offsets(%dma_start3A_317 : memref<128xi32, #tpu.memory_space<vmem>>) semaphore(%arg17 : memref<!tpu.dma_semaphore, #tpu.memory_space<semaphore_mem>>)
      } else {
      }
      %mul3A_270 = arith.constant 128 : i32
      %mul3A_271 = arith.muli %add3A_254, %mul3A_270 : i32
      %dma_wait3A_272 = tpu.memref_slice %arg5[%mul3A_271] : memref<25600xi32, #tpu.memory_space<vmem>> -> memref<128xi32, #tpu.memory_space<vmem>>
      %dma_wait3A_273 = arith.constant 0 : i32
      %dma_wait3A_274 = arith.constant 0 : i32
      %dma_wait3A_275 = tpu.memref_slice %arg3[%dma_wait3A_273, %dma_wait3A_274] : memref<1000000x64xf32, #tpu.memory_space<hbm>> -> memref<1000000x64xf32, #tpu.memory_space<hbm>>
      tpu.wait_indirect_dma semaphore(%arg20 : memref<!tpu.dma_semaphore, #tpu.memory_space<semaphore_mem>>) src(%dma_wait3A_275 : memref<1000000x64xf32, #tpu.memory_space<hbm>>) dst(%arg12 : memref<128x64xf32, #tpu.memory_space<vmem>>)
      %mul3A_276 = arith.constant 128 : i32
      %mul3A_277 = arith.muli %add3A_254, %mul3A_276 : i32
      %add3A_278 = arith.addi %mul3A_2, %mul3A_277 : i32
      %dma_start3A_279 = arith.constant 0 : i32
      %dma_start3A_280 = tpu.memref_slice %arg4[%add3A_278, %dma_start3A_279] : memref<819200x128xf32, #tpu.memory_space<hbm>> -> memref<128x64xf32, #tpu.memory_space<hbm>>
      %dma_start3A_281 = arith.constant 0 : i32
      %dma_start3A_282 = tpu.memref_slice %arg4[%add3A_278, %dma_start3A_281] : memref<819200x128xf32, #tpu.memory_space<hbm>> -> memref<128x64xf32, #tpu.memory_space<hbm>>
      tpu.enqueue_dma source(%arg12 : memref<128x64xf32, #tpu.memory_space<vmem>>) target(%dma_start3A_282 : memref<128x64xf32, #tpu.memory_space<hbm>>) target_semaphore(%arg28 : memref<!tpu.dma_semaphore, #tpu.memory_space<semaphore_mem>>)
      %mul3A_283 = arith.constant 8 : i32
      %mul3A_284 = arith.muli %scan3A_63, %mul3A_283 : i32
      %add3A_285 = arith.constant 7 : i32
      %add3A_286 = arith.addi %mul3A_284, %add3A_285 : i32
      %add3A_287 = arith.constant 5 : i32
      %add3A_288 = arith.addi %add3A_286, %add3A_287 : i32
      %ge3A_289 = arith.constant 8 : i32
      %ge3A_290 = arith.cmpi sge, %add3A_288, %ge3A_289 : i32
      %lt3A_291 = arith.constant 200 : i32
      %lt3A_292 = arith.cmpi slt, %add3A_288, %lt3A_291 : i32
      %and3A_293 = arith.andi %ge3A_290, %lt3A_292 : i1
      %convert_element_type3A_294 = arith.extui %and3A_293 : i1 to i32
      %cond3A_295 = arith.constant 0 : i32
      %cond3A_296 = arith.cmpi ne, %convert_element_type3A_294, %cond3A_295 : i32
      scf.if %cond3A_296 {
        %dma_wait3A_315 = arith.constant 0 : i32
        %dma_wait3A_316 = tpu.memref_slice %arg4[%mul3A_2, %dma_wait3A_315] : memref<819200x128xf32, #tpu.memory_space<hbm>> -> memref<128x64xf32, #tpu.memory_space<hbm>>
        %dma_wait3A_317 = arith.constant 0 : i32
        %dma_wait3A_318 = tpu.memref_slice %arg4[%mul3A_2, %dma_wait3A_317] : memref<819200x128xf32, #tpu.memory_space<hbm>> -> memref<128x64xf32, #tpu.memory_space<hbm>>
        tpu.wait_dma2 semaphore(%arg26 : memref<!tpu.dma_semaphore, #tpu.memory_space<semaphore_mem>>) src(%arg10 : memref<128x64xf32, #tpu.memory_space<vmem>>) dst(%dma_wait3A_318 : memref<128x64xf32, #tpu.memory_space<hbm>>)
      } else {
      }
      %lt3A_297 = arith.constant 200 : i32
      %lt3A_298 = arith.cmpi slt, %add3A_288, %lt3A_297 : i32
      %convert_element_type3A_299 = arith.extui %lt3A_298 : i1 to i32
      %cond3A_300 = arith.constant 0 : i32
      %cond3A_301 = arith.cmpi ne, %convert_element_type3A_299, %cond3A_300 : i32
      scf.if %cond3A_301 {
        %mul3A_315 = arith.constant 128 : i32
        %mul3A_316 = arith.muli %add3A_288, %mul3A_315 : i32
        %dma_start3A_317 = tpu.memref_slice %arg5[%mul3A_316] : memref<25600xi32, #tpu.memory_space<vmem>> -> memref<128xi32, #tpu.memory_space<vmem>>
        %dma_start3A_318 = arith.constant 0 : i32
        %dma_start3A_319 = arith.constant 0 : i32
        %dma_start3A_320 = tpu.memref_slice %arg3[%dma_start3A_318, %dma_start3A_319] : memref<1000000x64xf32, #tpu.memory_space<hbm>> -> memref<1000000x64xf32, #tpu.memory_space<hbm>>
        tpu.enqueue_indirect_dma source(%dma_start3A_320 : memref<1000000x64xf32, #tpu.memory_space<hbm>>) target(%arg10 : memref<128x64xf32, #tpu.memory_space<vmem>>) offsets(%dma_start3A_317 : memref<128xi32, #tpu.memory_space<vmem>>) semaphore(%arg18 : memref<!tpu.dma_semaphore, #tpu.memory_space<semaphore_mem>>)
      } else {
      }
      %mul3A_302 = arith.constant 128 : i32
      %mul3A_303 = arith.muli %add3A_286, %mul3A_302 : i32
      %dma_wait3A_304 = tpu.memref_slice %arg5[%mul3A_303] : memref<25600xi32, #tpu.memory_space<vmem>> -> memref<128xi32, #tpu.memory_space<vmem>>
      %dma_wait3A_305 = arith.constant 0 : i32
      %dma_wait3A_306 = arith.constant 0 : i32
      %dma_wait3A_307 = tpu.memref_slice %arg3[%dma_wait3A_305, %dma_wait3A_306] : memref<1000000x64xf32, #tpu.memory_space<hbm>> -> memref<1000000x64xf32, #tpu.memory_space<hbm>>
      tpu.wait_indirect_dma semaphore(%arg21 : memref<!tpu.dma_semaphore, #tpu.memory_space<semaphore_mem>>) src(%dma_wait3A_307 : memref<1000000x64xf32, #tpu.memory_space<hbm>>) dst(%arg13 : memref<128x64xf32, #tpu.memory_space<vmem>>)
      %mul3A_308 = arith.constant 128 : i32
      %mul3A_309 = arith.muli %add3A_286, %mul3A_308 : i32
      %add3A_310 = arith.addi %mul3A_2, %mul3A_309 : i32
      %dma_start3A_311 = arith.constant 0 : i32
      %dma_start3A_312 = tpu.memref_slice %arg4[%add3A_310, %dma_start3A_311] : memref<819200x128xf32, #tpu.memory_space<hbm>> -> memref<128x64xf32, #tpu.memory_space<hbm>>
      %dma_start3A_313 = arith.constant 0 : i32
      %dma_start3A_314 = tpu.memref_slice %arg4[%add3A_310, %dma_start3A_313] : memref<819200x128xf32, #tpu.memory_space<hbm>> -> memref<128x64xf32, #tpu.memory_space<hbm>>
      tpu.enqueue_dma source(%arg13 : memref<128x64xf32, #tpu.memory_space<vmem>>) target(%dma_start3A_314 : memref<128x64xf32, #tpu.memory_space<hbm>>) target_semaphore(%arg29 : memref<!tpu.dma_semaphore, #tpu.memory_space<semaphore_mem>>)
    }
    %scan3A_31 = arith.constant 25 : i32
    %dma_wait3A = arith.constant 0 : i32
    %dma_wait3A_32 = tpu.memref_slice %arg4[%mul3A_2, %dma_wait3A] : memref<819200x128xf32, #tpu.memory_space<hbm>> -> memref<128x64xf32, #tpu.memory_space<hbm>>
    %dma_wait3A_33 = arith.constant 0 : i32
    %dma_wait3A_34 = tpu.memref_slice %arg4[%mul3A_2, %dma_wait3A_33] : memref<819200x128xf32, #tpu.memory_space<hbm>> -> memref<128x64xf32, #tpu.memory_space<hbm>>
    tpu.wait_dma2 semaphore(%arg22 : memref<!tpu.dma_semaphore, #tpu.memory_space<semaphore_mem>>) src(%arg6 : memref<128x64xf32, #tpu.memory_space<vmem>>) dst(%dma_wait3A_34 : memref<128x64xf32, #tpu.memory_space<hbm>>)
    %dma_wait3A_35 = arith.constant 0 : i32
    %dma_wait3A_36 = tpu.memref_slice %arg4[%mul3A_2, %dma_wait3A_35] : memref<819200x128xf32, #tpu.memory_space<hbm>> -> memref<128x64xf32, #tpu.memory_space<hbm>>
    %dma_wait3A_37 = arith.constant 0 : i32
    %dma_wait3A_38 = tpu.memref_slice %arg4[%mul3A_2, %dma_wait3A_37] : memref<819200x128xf32, #tpu.memory_space<hbm>> -> memref<128x64xf32, #tpu.memory_space<hbm>>
    tpu.wait_dma2 semaphore(%arg23 : memref<!tpu.dma_semaphore, #tpu.memory_space<semaphore_mem>>) src(%arg7 : memref<128x64xf32, #tpu.memory_space<vmem>>) dst(%dma_wait3A_38 : memref<128x64xf32, #tpu.memory_space<hbm>>)
    %dma_wait3A_39 = arith.constant 0 : i32
    %dma_wait3A_40 = tpu.memref_slice %arg4[%mul3A_2, %dma_wait3A_39] : memref<819200x128xf32, #tpu.memory_space<hbm>> -> memref<128x64xf32, #tpu.memory_space<hbm>>
    %dma_wait3A_41 = arith.constant 0 : i32
    %dma_wait3A_42 = tpu.memref_slice %arg4[%mul3A_2, %dma_wait3A_41] : memref<819200x128xf32, #tpu.memory_space<hbm>> -> memref<128x64xf32, #tpu.memory_space<hbm>>
    tpu.wait_dma2 semaphore(%arg24 : memref<!tpu.dma_semaphore, #tpu.memory_space<semaphore_mem>>) src(%arg8 : memref<128x64xf32, #tpu.memory_space<vmem>>) dst(%dma_wait3A_42 : memref<128x64xf32, #tpu.memory_space<hbm>>)
    %dma_wait3A_43 = arith.constant 0 : i32
    %dma_wait3A_44 = tpu.memref_slice %arg4[%mul3A_2, %dma_wait3A_43] : memref<819200x128xf32, #tpu.memory_space<hbm>> -> memref<128x64xf32, #tpu.memory_space<hbm>>
    %dma_wait3A_45 = arith.constant 0 : i32
    %dma_wait3A_46 = tpu.memref_slice %arg4[%mul3A_2, %dma_wait3A_45] : memref<819200x128xf32, #tpu.memory_space<hbm>> -> memref<128x64xf32, #tpu.memory_space<hbm>>
    tpu.wait_dma2 semaphore(%arg25 : memref<!tpu.dma_semaphore, #tpu.memory_space<semaphore_mem>>) src(%arg9 : memref<128x64xf32, #tpu.memory_space<vmem>>) dst(%dma_wait3A_46 : memref<128x64xf32, #tpu.memory_space<hbm>>)
    %dma_wait3A_47 = arith.constant 0 : i32
    %dma_wait3A_48 = tpu.memref_slice %arg4[%mul3A_2, %dma_wait3A_47] : memref<819200x128xf32, #tpu.memory_space<hbm>> -> memref<128x64xf32, #tpu.memory_space<hbm>>
    %dma_wait3A_49 = arith.constant 0 : i32
    %dma_wait3A_50 = tpu.memref_slice %arg4[%mul3A_2, %dma_wait3A_49] : memref<819200x128xf32, #tpu.memory_space<hbm>> -> memref<128x64xf32, #tpu.memory_space<hbm>>
    tpu.wait_dma2 semaphore(%arg26 : memref<!tpu.dma_semaphore, #tpu.memory_space<semaphore_mem>>) src(%arg10 : memref<128x64xf32, #tpu.memory_space<vmem>>) dst(%dma_wait3A_50 : memref<128x64xf32, #tpu.memory_space<hbm>>)
    %dma_wait3A_51 = arith.constant 0 : i32
    %dma_wait3A_52 = tpu.memref_slice %arg4[%mul3A_2, %dma_wait3A_51] : memref<819200x128xf32, #tpu.memory_space<hbm>> -> memref<128x64xf32, #tpu.memory_space<hbm>>
    %dma_wait3A_53 = arith.constant 0 : i32
    %dma_wait3A_54 = tpu.memref_slice %arg4[%mul3A_2, %dma_wait3A_53] : memref<819200x128xf32, #tpu.memory_space<hbm>> -> memref<128x64xf32, #tpu.memory_space<hbm>>
    tpu.wait_dma2 semaphore(%arg27 : memref<!tpu.dma_semaphore, #tpu.memory_space<semaphore_mem>>) src(%arg11 : memref<128x64xf32, #tpu.memory_space<vmem>>) dst(%dma_wait3A_54 : memref<128x64xf32, #tpu.memory_space<hbm>>)
    %dma_wait3A_55 = arith.constant 0 : i32
    %dma_wait3A_56 = tpu.memref_slice %arg4[%mul3A_2, %dma_wait3A_55] : memref<819200x128xf32, #tpu.memory_space<hbm>> -> memref<128x64xf32, #tpu.memory_space<hbm>>
    %dma_wait3A_57 = arith.constant 0 : i32
    %dma_wait3A_58 = tpu.memref_slice %arg4[%mul3A_2, %dma_wait3A_57] : memref<819200x128xf32, #tpu.memory_space<hbm>> -> memref<128x64xf32, #tpu.memory_space<hbm>>
    tpu.wait_dma2 semaphore(%arg28 : memref<!tpu.dma_semaphore, #tpu.memory_space<semaphore_mem>>) src(%arg12 : memref<128x64xf32, #tpu.memory_space<vmem>>) dst(%dma_wait3A_58 : memref<128x64xf32, #tpu.memory_space<hbm>>)
    %dma_wait3A_59 = arith.constant 0 : i32
    %dma_wait3A_60 = tpu.memref_slice %arg4[%mul3A_2, %dma_wait3A_59] : memref<819200x128xf32, #tpu.memory_space<hbm>> -> memref<128x64xf32, #tpu.memory_space<hbm>>
    %dma_wait3A_61 = arith.constant 0 : i32
    %dma_wait3A_62 = tpu.memref_slice %arg4[%mul3A_2, %dma_wait3A_61] : memref<819200x128xf32, #tpu.memory_space<hbm>> -> memref<128x64xf32, #tpu.memory_space<hbm>>
    tpu.wait_dma2 semaphore(%arg29 : memref<!tpu.dma_semaphore, #tpu.memory_space<semaphore_mem>>) src(%arg13 : memref<128x64xf32, #tpu.memory_space<vmem>>) dst(%dma_wait3A_62 : memref<128x64xf32, #tpu.memory_space<hbm>>)
    return
  }
}

</mosaic_0001>

<sc_bundles>
// kernel: kernel.3.cloned.1.call-start
scs
__scs_entry_jumppad:
0x0: {  	(pc) =	sbr.rel $0x88, $3  }
0x1: {  	(tag) =	ssettag $0x0;
	lr =	simm.s32 $0x1  }
0x2: {  	[smem:$0x3F9F] =	sst lr;
	_ =	strace $0xD0000000  }
0x3: {  	_ = 	snop  }
0x4: {  	_ = 	snop  }
0x5: {  	_ = 	snop  }
0x6: {  	_ = 	snop  }
0x7: {  	_ = 	snop  }
__scs_overlays_trampoline_lowered:
0x8: {  	[smem:$0x3FAE] =	sst s0  }
0x9: {  	[smem:$0x3FAF] =	sst s1  }
0xa: {  	[smem:$0x3FB0] =	sst s2  }
0xb: {  	[smem:$0x3FB1] =	sst s3  }
0xc: {  	[smem:$0x3FB2] =	sst s4  }
0xd: {  	[smem:$0x3FB3] =	sst s5  }
0xe: {  	[smem:$0x3FB4] =	sst s6  }
0xf: {  	[smem:$0x3FB5] =	sst s7  }
0x10: {  	[smem:$0x3FB6] =	sst s8  }
0x11: {  	[smem:$0x3FB7] =	sst s9;
	s0 =	simm.s32 @!p0 $0x0  }
0x12: {  	s1 =	sld [smem:$0x3F9D];
	s0 =	simm.s32 @p0 $0x1  }
0x13: {  	[smem:$0x3FB8] =	sst s0;
	s0 =	simm.s32 @!p1 $0x0  }
0x14: {  	s2 =	sld [smem:$0x3F9C];
	s0 =	simm.s32 @p1 $0x1  }
0x15: {  	[smem:$0x3FB9] =	sst s0;
	s0 =	simm.s32 @!p2 $0x0  }
0x16: {  	s3 =	sld [smem:$0x3FDB];
	s0 =	simm.s32 @p2 $0x1  }
0x17: {  	s4 =	simm.s32 $0x1BF5;
	[smem:$0x3FBB] =	sst s0  }
0x18: {  	s0 =	sld [smem:$0x3F9E];
	_ =	swait.ge [sflag:s4], $0x0  }
0x19: {  	s7 =	sld [smem:$0x3F9F]  }
0x1a: {  	s8 =	sadd.s32 $0xFFFFE003, lr  }
0x1b: {  	s9 =	sadd.s32 $0xFFFFFEF7, lr;
	s5 =	simm.s32 $0xFFFFFFFF;
	p2 =	slt.u32 s8, $0xFFFFF086  }
0x1c: {  	p1 =	slt.u32 s9, $0xF7A;
	s5 =	simm.s32 @!p2 $0x0  }
0x1d: {  	s5 =	simm.s32 @p1 $0x1;
	p0 =	seq.s32 s7, s2  }
0x1e: {  	s7 =	smul.u32 @!p0 $0xF7A, s2;
	p2 =	seq.s32 @!p0 s5, $0x0  }
0x1f: {  	s9 =	smul.u32 $0xF7A, s1;
	s8 =	simm.s32 @!p0 $0x1BF5;
	p2 =	por !p2, p0  }
0x20: {  	[sflag:s8] =	ssyncset.s32 @!p0 $0xFFFFF086;
	s6 =	sadd.s32 @!p0 s3, s7;
	s7 =	simm.s32 @!p0 $0x108  }
0x21: {  	s3 =	sadd.s32 s3, s9;
	s6 =	sadd.s32 @!p0 $0x88, s6;
	s7 =	simm.s32 @p2 $0x1082  }
0x22: {  	[simem:s7], [sflag:s8] =	dma.local @!p0 [hbm:s6], $0xF7A  }
0x23: {  	s9 =	sor.u32 $0xD0000000, s2;
	s6 =	simm.s32 $0x108;
	_ =	swait.ge @!p0 [sflag:s8], $0x0  }
0x24: {  	s3 =	sadd.s32 $0x88, s3;
	s6 =	simm.s32 @!p1 $0x1082;
	[sflag:s4] =	ssyncset.s32 $0xFFFFF086  }
0x25: {  	[simem:s6], [sflag:s4] =	dma.local [hbm:s3], $0xF7A  }
0x26: {  	[smem:$0x3F9F] =	sst s1;
	(tag) =	ssettag s2;
	_ =	strace s9  }
0x27: {  	s1 =	sld [smem:$0x3FAF]  }
0x28: {  	s2 =	sld [smem:$0x3FB0]  }
0x29: {  	s4 =	sld [smem:$0x3FB2]  }
0x2a: {  	p0 =	seq.s32 s5, $0x0;
	s5 =	sld [smem:$0x3FB3]  }
0x2b: {  	s6 =	sld [smem:$0x3FB4]  }
0x2c: {  	s7 =	sld [smem:$0x3FB5]  }
0x2d: {  	s3 =	simm.s32 $0x108;
	s8 =	sld [smem:$0x3FB6]  }
0x2e: {  	s3 =	simm.s32 @!p0 $0x1082;
	s9 =	sld [smem:$0x3FB7]  }
0x2f: {  	lr =	sadd.s32 s0, s3;
	s0 =	sld [smem:$0x3FAE]  }
0x30: {  	s3 =	sld [smem:$0x3FB1]  }
0x31: {  	[smem:$0x3FBA] =	sst s10  }
0x32: {  	s10 =	sld [smem:$0x3FB8];
	_ =	sdelay $0x3  }
0x33: {  	p0 =	seq.s32 s10, $0x1;
	s10 =	sld [smem:$0x3FBA];
	_ =	sdelay $0x3  }
0x34: {  	[smem:$0x3FBA] =	sst s10  }
0x35: {  	s10 =	sld [smem:$0x3FB9];
	_ =	sdelay $0x3  }
0x36: {  	p1 =	seq.s32 s10, $0x1;
	s10 =	sld [smem:$0x3FBA];
	_ =	sdelay $0x3  }
0x37: {  	[smem:$0x3FBA] =	sst s10  }
0x38: {  	s10 =	sld [smem:$0x3FBB]  }
0x39: {  	_ = 	snop;
	(pc) =	sbr.ind lr, $3  }
0x3a: {  	_ = 	snop  }
0x3b: {  	_ = 	snop  }
0x3c: {  	p2 =	seq.s32 s10, $0x1;
	s10 =	sld [smem:$0x3FBA]  }
0x3d: {  	_ =	shalt  }
0x3e: {  	_ =	shalt  }
0x3f: {  	_ =	shalt  }
0x40: {  	_ =	shalt  }
0x41: {  	_ =	shalt  }
0x42: {  	_ =	shalt  }
0x43: {  	_ =	shalt  }
0x44: {  	_ =	shalt  }
0x45: {  	_ =	shalt  }
0x46: {  	_ =	shalt  }
0x47: {  	_ =	shalt  }
0x48: {  	_ =	shalt  }
0x49: {  	_ =	shalt  }
0x4a: {  	_ =	shalt  }
0x4b: {  	_ =	shalt  }
0x4c: {  	_ =	shalt  }
0x4d: {  	_ =	shalt  }
0x4e: {  	_ =	shalt  }
0x4f: {  	_ =	shalt  }
0x50: {  	_ =	shalt  }
0x51: {  	_ =	shalt  }
0x52: {  	_ =	shalt  }
0x53: {  	_ =	shalt  }
0x54: {  	_ =	shalt  }
0x55: {  	_ =	shalt  }
0x56: {  	_ =	shalt  }
0x57: {  	_ =	shalt  }
0x58: {  	_ =	shalt  }
0x59: {  	_ =	shalt  }
0x5a: {  	_ =	shalt  }
0x5b: {  	_ =	shalt  }
0x5c: {  	_ =	shalt  }
0x5d: {  	_ =	shalt  }
0x5e: {  	_ =	shalt  }
0x5f: {  	_ =	shalt  }
0x60: {  	_ =	shalt  }
0x61: {  	_ =	shalt  }
0x62: {  	_ =	shalt  }
0x63: {  	_ =	shalt  }
0x64: {  	_ =	shalt  }
0x65: {  	_ =	shalt  }
0x66: {  	_ =	shalt  }
0x67: {  	_ =	shalt  }
0x68: {  	_ =	shalt  }
0x69: {  	_ =	shalt  }
0x6a: {  	_ =	shalt  }
0x6b: {  	_ =	shalt  }
0x6c: {  	_ =	shalt  }
0x6d: {  	_ =	shalt  }
0x6e: {  	_ =	shalt  }
0x6f: {  	_ =	shalt  }
0x70: {  	_ =	shalt  }
0x71: {  	_ =	shalt  }
0x72: {  	_ =	shalt  }
0x73: {  	_ =	shalt  }
0x74: {  	_ =	shalt  }
0x75: {  	_ =	shalt  }
0x76: {  	_ =	shalt  }
0x77: {  	_ =	shalt  }
0x78: {  	_ =	shalt  }
0x79: {  	_ =	shalt  }
0x7a: {  	_ =	shalt  }
0x7b: {  	_ =	shalt  }
0x7c: {  	_ =	shalt  }
0x7d: {  	_ =	shalt  }
0x7e: {  	_ =	shalt  }
0x7f: {  	_ =	shalt  }
0x80: {  	_ =	shalt  }
0x81: {  	_ =	shalt  }
0x82: {  	_ =	shalt  }
0x83: {  	_ =	shalt  }
0x84: {  	_ =	shalt  }
0x85: {  	_ =	shalt  }
0x86: {  	_ =	shalt  }
0x87: {  	_ =	shalt  }
.Lfunc_end0:
.L_simem_size_0:
called_computation.1_lowered:
.L_overlay_start_0:
0x88: {  	s2 =	sld [smem:$0x3FD9]  }
0x89: {  	s3 =	sld [smem:$0x3FFE];
	_ =	sdelay $0x1  }
0x8a: {  	s1 =	srdreg.scid  }
0x8b: {  	s0 =	sand.u32 $0x1, s1  }
0x8c: {  	s17 =	sshll.u32 s0, $0xA;
	s2 =	sadd.s32 s3, s2  }
0x8d: {  	s2 =	sadd.s32 s2, s17  }
0x8e: {  	[smem:$0x3FC6] =	sst s2  }
0x8f: {  	_ = 	snop  }
0x90: {  	s2 =	sld [smem:$0x3FD0];
	(tm) =	ssettm $0x1  }
0x91: {  	s18 =	sld [smem:$0x3FFB];
	_ =	sdelay $0x3  }
0x92: {  	_ =	strace s18  }
0x93: {  	s3 =	sld [smem:$0x3FFC];
	_ =	sdelay $0x3  }
0x94: {  	_ =	strace s3  }
0x95: {  	s3 =	sld [smem:$0x3FFD];
	_ =	sdelay $0x3  }
0x96: {  	_ =	strace s3  }
0x97: {  	_ =	strace $0x8FFFFFFF  }
0x98: {  	s19 =	sld [smem:$0x3FDB];
	_ =	sdelay $0x1  }
0x99: {  	s4 =	simm.s32 $_scs_section_size  }
0x9a: {  	s5 =	simm.s32 $_size__tile_overlayer_lowered;
	s6 =	simm.s32 $_tile_overlayer_lowered  }
0x9b: {  	s22 =	simm.s32 $0x1BFF;
	s21 =	sshll.u32 s6, $0x1;
	s3 =	sadd.s32 s4, s19  }
0x9c: {  	s7 =	simm.s32 $0x0;
	s20 =	sshll.u32 s5, $0x1;
	s5 =	sadd.s32 s21, s3  }
0x9d: {  	[timem:s7], [sflag:s22] =	dma.local [hbm:s5], s20  }
0x9e: {  	_ =	swait.ge [sflag:s22], s20  }
0x9f: {  	s4 =	ssub.s32 $0x0, s20;
	[sflag:s22] =	ssyncset.done $0x0  }
0xa0: {  	[sflag:s22] =	ssyncadd.s32 s4;
	_ =	sdelay $0x1  }
0xa1: {  	s23 =	simm.s32 $0x1B8B  }
0xa2: {  	_ =	swait.ge [sflag:s23], $0x1  }
0xa3: {  	[sflag:s23] =	ssyncset.done $0x0  }
0xa4: {  	s25 =	simm.s32 $0x1B8E;
	s24 =	sld [smem:$0x3FFE];
	[sflag:s23] =	ssyncadd.s32 $0xFFFFFFFF  }
0xa5: {  	s26 =	simm.s32 $execute0_lowered;
	[smem:$0x3FD2] =	sst s25  }
0xa6: {  	s5 =	sshll.u32 s26, $0x1;
	_ =	strace $0x80000046;
	[dreg:$0x1] =	wrdreg $0xFFFFFFFF  }
0xa7: {  	s28 =	simm.s32 $_size_execute0_lowered;
	s3 =	sadd.s32 s3, s5;
	[dreg:$0x0] =	wrdreg $0x0  }
0xa8: {  	s5 =	sshll.u32 s28, $0x1;
	[dreg:$0x2] =	wrdreg s3  }
0xa9: {  	[dreg:$0x3] =	wrdreg s5  }
0xaa: {  	[dreg:$0x4] =	wrdreg $0xC0  }
0xab: {  	_ =	task [dreg:s7], $0x5FFFF  }
0xac: {  	[dreg:$0x1] =	wrdreg $0xFFFFFFFF  }
0xad: {  	[dreg:$0x0] =	wrdreg $0x60  }
0xae: {  	[dreg:$0x2] =	wrdreg s2  }
0xaf: {  	[dreg:$0x3] =	wrdreg s24  }
0xb0: {  	[dreg:$0x4] =	wrdreg $0x9  }
0xb1: {  	_ =	task.clear_ibuf [dreg:s7], $0x5FFFF;
	_ =	strace $0x90000046  }
0xb2: {  	s29 =	simm.s32 $0x9;
	_ =	strace $0x80000048  }
0xb3: {  	_ =	swait.ge [sflag:s29], $0x1  }
0xb4: {  	[sflag:s29] =	ssyncadd.s32 $0xFFFFFFFF  }
0xb5: {  	_ =	strace $0x90000048  }
0xb6: {  	_ =	sfence  }
0xb7: {  	s30 =	sld [smem:$0x0];
	_ =	sdelay $0x2  }
0xb8: {  	s31 =	sshll.u32 s1, $0xD;
	s1 =	sshrl.u32 s1, $0x2  }
0xb9: {  	s3 =	sand.u32 $0x4000, s31;
	s1 =	sadd.s32 s1, s30  }
0xba: {  	s0 =	sor.u32 s3, s0;
	s1 =	sshll.u32 s1, $0x11  }
0xbb: {  	s0 =	sor.u32 s1, s0  }
0xbc: {  	s0 =	sadd.s32 $0x8F2B, s0  }
0xbd: {  	[sflag:s0] =	ssyncadd.remote.s32 $0x1  }
0xbe: {  	_ =	sfence.sel $0xFFFF  }
0xbf: {  	[dreg:$0x0] =	wrdreg $0xFFFFFFFF;
	(pc) =	sbr.abs _section_cstart, $3  }
0xc0: {  	[dreg:$0x1] =	wrdreg $0xFFFFFFFF  }
0xc1: {  	_ =	task.clear_ibuf [dreg:s7], $0x2FFFF;
	_ =	strace $0x9FFFFFFF  }
0xc2: {  	(tm) =	ssettm $0x7FFFFFFF  }
0xc3: {  	_ =	shalt  }
tec
execute0_lowered:
.L_overlay_start_1:
0x0: {  	(tag) =	ssettag $0x1  }
0x1: {  	s0 =	rddreg [dreg:$0x0]  }
0x2: {  	s1 =	srdreg.scid;
	s10 =	stileid.u32  }
0x3: {  	s2 =	rddreg [dreg:$0x1];
	s15 =	simm.s32 $0x0;
	s28 =	simm.s32 $0x7  }
0x4: {  	s29 =	simm.s32 $0x8;
	s12 =	simm.s32 $0x8400;
	s14 =	simm.s32 $0xA400  }
0x5: {  	s4 =	sand.u32 $0x1, s1;
	s5 =	smul.u32 $0x640000, s10;
	[smem:$0x7FF] =	sst s15  }
0x6: {  	s7 =	smul.u32 $0xC800, s10;
	s3 =	sadd.s32 $0xF42E00, s2;
	s16 =	sadd.s32 $0xA00, s2  }
0x7: {  	s10 =	sshll.u32 s10, $0x1;
	s6 =	smul.u32 $0x320000, s4;
	_ =	strace $0x80000047  }
0x8: {  	s8 =	ssub.s32 $0x2, s4;
	s9 =	smul.u32 $0x6400, s4;
	[dreg:$0xb] =	wrdreg s16  }
0x9: {  	s4 =	sor.u32 s4, s10;
	s10 =	simm.s32 $0x6400;
	s16 =	simm.s32 $0xC400  }
0xa: {  	s17 =	sshrl.u32 s8, $0x1;
	s4 =	smul.u32 $0x6400, s4;
	s5 =	sadd.s32 s6, s5  }
0xb: {  	s18 =	sadd.s32 s9, s7;
	s2 =	ssub.s32 s8, s17;
	s8 =	simm.s32 $0x80  }
0xc: {  	s17 =	simm.s32 $0x10400;
	s19 =	sshrl.u32 s5, $0x3;
	s6 =	sshll.u32 s18, $0x4  }
0xd: {  	s4 =	sshrl.u32 s4, $0x3;
	s31 =	smax.u32 s2, $0x1;
	[dreg:$0x3] =	wrdreg s19  }
0xe: {  	s23 =	sor.u32 $0x1C000, s5;
	s20 =	sor.u32 $0x2000, s6;
	[dreg:$0xd] =	wrdreg s31  }
0xf: {  	s25 =	sor.u32 $0x18000, s5;
	s21 =	sor.u32 $0x1800, s6;
	[dreg:$0x4] =	wrdreg s20  }
0x10: {  	s5 =	sor.u32 $0x14000, s5;
	s22 =	sor.u32 $0x1000, s6;
	[dreg:$0x5] =	wrdreg s21  }
0x11: {  	s18 =	simm.s32 $0x1;
	s6 =	sor.u32 $0x800, s6;
	[dreg:$0x6] =	wrdreg s22  }
0x12: {  	s2 =	simm.s32 $0x0;
	s24 =	sshrl.u32 s23, $0x3;
	[dreg:$0x7] =	wrdreg s6  }
0x13: {  	s26 =	sshrl.u32 s25, $0x3;
	s0 =	sadd.s32 s0, s4;
	[dreg:$0x8] =	wrdreg s24  }
0x14: {  	s30 =	sshrl.u32 s5, $0x3;
	s19 =	simm.s32 $0x40;
	[dreg:$0xc] =	wrdreg s0  }
0x15: {  	s23 =	simm.s32 $0x3;
	s25 =	simm.s32 $0x5;
	[dreg:$0x9] =	wrdreg s26  }
0x16: {  	[dreg:$0xa] =	wrdreg s30;
	s20 =	simm.s32 $0x12400;
	s21 =	simm.s32 $0x2  }
0x17: {  	s22 =	simm.s32 $0x14400;
	s24 =	simm.s32 $0x4;
	s26 =	simm.s32 $0x6  }
.LBB2_1:
0x18: {  	[dreg:$0xe] =	wrdreg s2  }
0x19: {  	s0 =	simm.s32 $0x0;
	s1 =	rddreg [dreg:$0xc];
	s11 =	simm.s32 $0x11  }
0x1a: {  	[tilespmem:s0], [sflag:$0x11] =	stream.linear.gather [hbm4b:s1+s0], $0x6400, $0x38;
	[tilespmem:$0x16400] =	vst v63  }
0x1b: {  	_ =	swait.ge [sflag:s11], $0x6400  }
0x1c: {  	[sflag:s11] =	ssyncset.done $0x0  }
0x1d: {  	s2 =	simm.s32 $0x6400;
	[sflag:s11] =	ssyncadd.s32 $0xFFFF9C00  }
0x1e: {  	[tilespmem:s2], [sflag:$0x1] =	stream.indirect.gather [hbm4b:s3+s8], $0x40, s0, s8, $0xb8;
	[tilespmem:$0x16400] =	vst v63  }
0x1f: {  	s5 =	simm.s32 $0x8400  }
0x20: {  	[tilespmem:s5], [sflag:$0x2] =	stream.indirect.gather [hbm4b:s3+s8], $0x40, s8, s8, $0xb8;
	[tilespmem:$0x16400] =	vst v63  }
0x21: {  	s13 =	simm.s32 $0x100;
	s6 =	simm.s32 $0xA400;
	p0 =	por $0x1, $0x1  }
0x22: {  	[tilespmem:s6], [sflag:$0x3] =	stream.indirect.gather [hbm4b:s3+s8], $0x40, s13, s8, $0xb8;
	[tilespmem:$0x16400] =	vst v63  }
0x23: {  	s15 =	simm.s32 $0x180;
	s9 =	simm.s32 $0xC400;
	p0 =	por p0, p0  }
0x24: {  	[tilespmem:s9], [sflag:$0x4] =	stream.indirect.gather [hbm4b:s3+s8], $0x40, s15, s8, $0xb8;
	[tilespmem:$0x16400] =	vst v63  }
0x25: {  	s1 =	simm.s32 $0x200;
	s11 =	simm.s32 $0xE400;
	s0 =	simm.s32 @!p0 $0xE  }
0x26: {  	[tilespmem:s11], [sflag:$0x5] =	stream.indirect.gather [hbm4b:s3+s8], $0x40, s1, s8, $0xb8;
	[tilespmem:$0x16400] =	vst v63  }
0x27: {  	_ =	swait.ge @!p0 [sflag:s0], $0x2000  }
0x28: {  	[sflag:s0] =	ssyncset.done @!p0 $0x0  }
0x29: {  	s4 =	simm.s32 $0x280;
	[sflag:s0] =	ssyncadd.s32 @!p0 $0xFFFFE000  }
0x2a: {  	[tilespmem:s17], [sflag:$0x6] =	stream.indirect.gather [hbm4b:s3+s8], $0x40, s4, s8, $0xb8;
	[tilespmem:$0x16400] =	vst v63  }
0x2b: {  	_ =	swait.ge [sflag:s18], $0x2000  }
0x2c: {  	s7 =	rddreg [dreg:$0x3]  }
0x2d: {  	[sflag:s18] =	ssyncset.done $0x0;
	s1 =	rddreg [dreg:$0xb]  }
0x2e: {  	s4 =	simm.s32 @!p0 $0xF;
	[sflag:s18] =	ssyncadd.s32 $0xFFFFE000;
	s0 =	sadd.s32 s1, s7  }
0x2f: {  	[hbm4b:s0+s19] =	stream.strided.scatter [tilespmem:s2], [sflag:$0x9], $0x2000, s8, s19, $0x38;
	[tilespmem:$0x16400] =	vst v63  }
0x30: {  	_ =	swait.ge @!p0 [sflag:s4], $0x2000  }
0x31: {  	[sflag:s4] =	ssyncset.done @!p0 $0x0  }
0x32: {  	s13 =	simm.s32 $0x300;
	[sflag:s4] =	ssyncadd.s32 @!p0 $0xFFFFE000  }
0x33: {  	[tilespmem:s20], [sflag:$0x7] =	stream.indirect.gather [hbm4b:s3+s8], $0x40, s13, s8, $0xb8;
	[tilespmem:$0x16400] =	vst v63  }
0x34: {  	_ =	swait.ge [sflag:s21], $0x2000  }
0x35: {  	s15 =	rddreg [dreg:$0x7];
	[sflag:s21] =	ssyncset.done $0x0  }
0x36: {  	p0 =	por $0x1, $0x1;
	[sflag:s21] =	ssyncadd.s32 $0xFFFFE000;
	s0 =	sadd.s32 s1, s15  }
0x37: {  	[hbm4b:s0+s19] =	stream.strided.scatter [tilespmem:s5], [sflag:$0xA], $0x2000, s8, s19, $0x38;
	[tilespmem:$0x16400] =	vst v63  }
0x38: {  	s0 =	simm.s32 @!p0 $0x10  }
0x39: {  	_ =	swait.ge @!p0 [sflag:s0], $0x2000  }
0x3a: {  	[sflag:s0] =	ssyncset.done @!p0 $0x0  }
0x3b: {  	s2 =	simm.s32 $0x380;
	[sflag:s0] =	ssyncadd.s32 @!p0 $0xFFFFE000  }
0x3c: {  	[tilespmem:s22], [sflag:$0x8] =	stream.indirect.gather [hbm4b:s3+s8], $0x40, s2, s8, $0xb8;
	[tilespmem:$0x16400] =	vst v63  }
0x3d: {  	_ =	swait.ge [sflag:s23], $0x2000  }
0x3e: {  	p0 =	por $0x0, $0x0;
	s5 =	rddreg [dreg:$0x6];
	[sflag:s23] =	ssyncset.done $0x0  }
0x3f: {  	s4 =	simm.s32 @!p0 $0x9;
	[sflag:s23] =	ssyncadd.s32 $0xFFFFE000;
	s0 =	sadd.s32 s1, s5  }
0x40: {  	[hbm4b:s0+s19] =	stream.strided.scatter [tilespmem:s6], [sflag:$0xB], $0x2000, s8, s19, $0x38;
	[tilespmem:$0x16400] =	vst v63  }
0x41: {  	_ =	swait.ge @!p0 [sflag:s4], $0x2000  }
0x42: {  	s7 =	simm.s32 @!p0 $0x6400;
	[sflag:s4] =	ssyncset.done @!p0 $0x0  }
0x43: {  	s0 =	simm.s32 @!p0 $0x400;
	s6 =	simm.s32 @!p0 $0x80;
	[sflag:s4] =	ssyncadd.s32 @!p0 $0xFFFFE000  }
0x44: {  	[tilespmem:s7], [sflag:$0x1] =	stream.indirect.gather @!p0 [hbm4b:s3+s6], $0x40, s0, s6, $0xb8;
	[tilespmem:$0x16400] =	vst v63  }
0x45: {  	_ =	swait.ge [sflag:s24], $0x2000  }
0x46: {  	s7 =	rddreg [dreg:$0x5];
	[sflag:s24] =	ssyncset.done $0x0  }
0x47: {  	s4 =	simm.s32 @!p0 $0xA;
	[sflag:s24] =	ssyncadd.s32 $0xFFFFE000;
	s0 =	sadd.s32 s1, s7  }
0x48: {  	[hbm4b:s0+s19] =	stream.strided.scatter [tilespmem:s9], [sflag:$0xC], $0x2000, s8, s19, $0x38;
	[tilespmem:$0x16400] =	vst v63  }
0x49: {  	_ =	swait.ge @!p0 [sflag:s4], $0x2000  }
0x4a: {  	[sflag:s4] =	ssyncset.done @!p0 $0x0  }
0x4b: {  	s7 =	simm.s32 @!p0 $0x8400;
	s0 =	simm.s32 @!p0 $0x480;
	[sflag:s4] =	ssyncadd.s32 @!p0 $0xFFFFE000  }
0x4c: {  	[tilespmem:s7], [sflag:$0x2] =	stream.indirect.gather @!p0 [hbm4b:s3+s6], $0x40, s0, s6, $0xb8;
	[tilespmem:$0x16400] =	vst v63  }
0x4d: {  	_ =	swait.ge [sflag:s25], $0x2000  }
0x4e: {  	s9 =	rddreg [dreg:$0x4];
	[sflag:s25] =	ssyncset.done $0x0  }
0x4f: {  	s4 =	simm.s32 @!p0 $0xB;
	[sflag:s25] =	ssyncadd.s32 $0xFFFFE000;
	s0 =	sadd.s32 s1, s9  }
0x50: {  	[hbm4b:s0+s19] =	stream.strided.scatter [tilespmem:s11], [sflag:$0xD], $0x2000, s8, s19, $0x38;
	[tilespmem:$0x16400] =	vst v63  }
0x51: {  	_ =	swait.ge @!p0 [sflag:s4], $0x2000  }
0x52: {  	[sflag:s4] =	ssyncset.done @!p0 $0x0  }
0x53: {  	s7 =	simm.s32 @!p0 $0xA400;
	s0 =	simm.s32 @!p0 $0x500;
	[sflag:s4] =	ssyncadd.s32 @!p0 $0xFFFFE000  }
0x54: {  	[tilespmem:s7], [sflag:$0x3] =	stream.indirect.gather @!p0 [hbm4b:s3+s6], $0x40, s0, s6, $0xb8;
	[tilespmem:$0x16400] =	vst v63  }
0x55: {  	_ =	swait.ge [sflag:s26], $0x2000  }
0x56: {  	s13 =	rddreg [dreg:$0xa];
	[sflag:s26] =	ssyncset.done $0x0  }
0x57: {  	s4 =	simm.s32 @!p0 $0xC;
	[sflag:s26] =	ssyncadd.s32 $0xFFFFE000;
	s0 =	sadd.s32 s1, s13  }
0x58: {  	[hbm4b:s0+s19] =	stream.strided.scatter [tilespmem:s17], [sflag:$0xE], $0x2000, s8, s19, $0x38;
	[tilespmem:$0x16400] =	vst v63  }
0x59: {  	_ =	swait.ge @!p0 [sflag:s4], $0x2000  }
0x5a: {  	[sflag:s4] =	ssyncset.done @!p0 $0x0  }
0x5b: {  	s7 =	simm.s32 @!p0 $0xC400;
	s0 =	simm.s32 @!p0 $0x580;
	[sflag:s4] =	ssyncadd.s32 @!p0 $0xFFFFE000  }
0x5c: {  	[tilespmem:s7], [sflag:$0x4] =	stream.indirect.gather @!p0 [hbm4b:s3+s6], $0x40, s0, s6, $0xb8;
	[tilespmem:$0x16400] =	vst v63  }
0x5d: {  	_ =	swait.ge [sflag:s28], $0x2000  }
0x5e: {  	s15 =	rddreg [dreg:$0x9];
	[sflag:s28] =	ssyncset.done $0x0  }
0x5f: {  	s4 =	simm.s32 @!p0 $0xD;
	[sflag:s28] =	ssyncadd.s32 $0xFFFFE000;
	s0 =	sadd.s32 s1, s15  }
0x60: {  	[hbm4b:s0+s19] =	stream.strided.scatter [tilespmem:s20], [sflag:$0xF], $0x2000, s8, s19, $0x38;
	[tilespmem:$0x16400] =	vst v63  }
0x61: {  	_ =	swait.ge @!p0 [sflag:s4], $0x2000  }
0x62: {  	s30 =	simm.s32 $0x0;
	p6 =	por $0x0, $0x0;
	[sflag:s4] =	ssyncset.done @!p0 $0x0  }
0x63: {  	s11 =	simm.s32 @!p0 $0xE400;
	s0 =	simm.s32 @!p0 $0x600;
	[sflag:s4] =	ssyncadd.s32 @!p0 $0xFFFFE000  }
0x64: {  	[tilespmem:s11], [sflag:$0x5] =	stream.indirect.gather @!p0 [hbm4b:s3+s6], $0x40, s0, s6, $0xb8;
	[tilespmem:$0x16400] =	vst v63  }
0x65: {  	s31 =	simm.s32 $0x2000;
	s7 =	simm.s32 $0x1000;
	_ =	swait.ge [sflag:s29], $0x2000  }
0x66: {  	s4 =	smov.u32 s1;
	p0 =	por p6, p6;
	[sflag:s29] =	ssyncset.done $0x0  }
0x67: {  	s6 =	sadd.s32 $0x4000, s1;
	s0 =	rddreg [dreg:$0x8];
	[sflag:s29] =	ssyncadd.s32 $0xFFFFE000  }
.LBB2_2:
0x68: {  	s13 =	simm.s32 @!p0 $0xE;
	s0 =	sadd.s32 s4, s0  }
0x69: {  	[hbm4b:s0+s19] =	stream.strided.scatter [tilespmem:s22], [sflag:$0x10], $0x2000, s8, s19, $0x38;
	[tilespmem:$0x16400] =	vst v63  }
0x6a: {  	_ =	swait.ge @!p0 [sflag:s13], $0x2000  }
0x6b: {  	s1 =	sshra.s32 s7, $0x2;
	[sflag:s13] =	ssyncset.done @!p0 $0x0  }
0x6c: {  	s2 =	sadd.s32 $0x280, s1;
	[sflag:s13] =	ssyncadd.s32 @!p0 $0xFFFFE000  }
0x6d: {  	[tilespmem:s17], [sflag:$0x6] =	stream.indirect.gather [hbm4b:s3+s8], $0x40, s2, s8, $0xb8;
	[tilespmem:$0x16400] =	vst v63  }
0x6e: {  	_ =	swait.ge [sflag:s18], $0x2000  }
0x6f: {  	s5 =	rddreg [dreg:$0x3];
	[sflag:s18] =	ssyncset.done $0x0  }
0x70: {  	s15 =	simm.s32 @!p0 $0xF;
	[sflag:s18] =	ssyncadd.s32 $0xFFFFE000;
	s13 =	sadd.s32 s6, s5  }
0x71: {  	[hbm4b:s13+s19] =	stream.strided.scatter [tilespmem:s10], [sflag:$0x9], $0x2000, s8, s19, $0x38;
	[tilespmem:$0x16400] =	vst v63  }
0x72: {  	_ =	swait.ge @!p0 [sflag:s15], $0x2000  }
0x73: {  	[sflag:s15] =	ssyncset.done @!p0 $0x0  }
0x74: {  	s30 =	sadd.s32 $0x8, s30;
	s9 =	sadd.s32 $0x300, s1;
	[sflag:s15] =	ssyncadd.s32 @!p0 $0xFFFFE000  }
0x75: {  	[tilespmem:s20], [sflag:$0x7] =	stream.indirect.gather [hbm4b:s3+s8], $0x40, s9, s8, $0xb8;
	[tilespmem:$0x16400] =	vst v63  }
0x76: {  	p2 =	sgt.u32 s30, $0xBF;
	_ =	swait.ge [sflag:s21], $0x2000  }
0x77: {  	p0 =	por p2, p2;
	s15 =	rddreg [dreg:$0x7];
	[sflag:s21] =	ssyncset.done $0x0  }
0x78: {  	p2 =	seq.s32 s7, $0x0;
	[sflag:s21] =	ssyncadd.s32 $0xFFFFE000;
	s13 =	sadd.s32 s6, s15  }
0x79: {  	[hbm4b:s13+s19] =	stream.strided.scatter [tilespmem:s12], [sflag:$0xA], $0x2000, s8, s19, $0x38;
	[tilespmem:$0x16400] =	vst v63  }
0x7a: {  	s13 =	simm.s32 @!p2 $0x10  }
0x7b: {  	_ =	swait.ge @!p2 [sflag:s13], $0x2000  }
0x7c: {  	[sflag:s13] =	ssyncset.done @!p2 $0x0  }
0x7d: {  	s0 =	sadd.s32 $0x380, s1;
	[sflag:s13] =	ssyncadd.s32 @!p2 $0xFFFFE000  }
0x7e: {  	[tilespmem:s22], [sflag:$0x8] =	stream.indirect.gather [hbm4b:s3+s8], $0x40, s0, s8, $0xb8;
	[tilespmem:$0x16400] =	vst v63  }
0x7f: {  	_ =	swait.ge [sflag:s23], $0x2000  }
0x80: {  	p2 =	seq.s32 s7, $0x18000;
	s1 =	rddreg [dreg:$0x6];
	[sflag:s23] =	ssyncset.done $0x0  }
0x81: {  	s13 =	simm.s32 @!p2 $0x9;
	[sflag:s23] =	ssyncadd.s32 $0xFFFFE000;
	s0 =	sadd.s32 s6, s1  }
0x82: {  	[hbm4b:s0+s19] =	stream.strided.scatter [tilespmem:s14], [sflag:$0xB], $0x2000, s8, s19, $0x38;
	[tilespmem:$0x16400] =	vst v63  }
0x83: {  	s7 =	sshra.s32 @!p2 s7, $0x2;
	_ =	swait.ge @!p2 [sflag:s13], $0x2000  }
0x84: {  	s2 =	sadd.s32 @!p2 $0x400, s7;
	[sflag:s13] =	ssyncset.done @!p2 $0x0  }
0x85: {  	s1 =	simm.s32 @!p2 $0x6400;
	s0 =	simm.s32 @!p2 $0x80;
	[sflag:s13] =	ssyncadd.s32 @!p2 $0xFFFFE000  }
0x86: {  	[tilespmem:s1], [sflag:$0x1] =	stream.indirect.gather @!p2 [hbm4b:s3+s0], $0x40, s2, s0, $0xb8;
	[tilespmem:$0x16400] =	vst v63  }
0x87: {  	_ =	swait.ge [sflag:s24], $0x2000  }
0x88: {  	s2 =	rddreg [dreg:$0x5];
	[sflag:s24] =	ssyncset.done $0x0  }
0x89: {  	[sflag:s24] =	ssyncadd.s32 $0xFFFFE000;
	s1 =	sadd.s32 s6, s2;
	s2 =	simm.s32 @!p2 $0xA  }
0x8a: {  	[hbm4b:s1+s19] =	stream.strided.scatter [tilespmem:s16], [sflag:$0xC], $0x2000, s8, s19, $0x38;
	[tilespmem:$0x16400] =	vst v63  }
0x8b: {  	s11 =	smov.u32 s31;
	_ =	swait.ge @!p2 [sflag:s2], $0x2000  }
0x8c: {  	s5 =	sadd.s32 @!p2 $0x480, s7;
	s9 =	sadd.s32 @!p2 $0x500, s7;
	[sflag:s2] =	ssyncset.done @!p2 $0x0  }
0x8d: {  	s15 =	sadd.s32 @!p2 $0x580, s7;
	s1 =	simm.s32 @!p2 $0x8400;
	[sflag:s2] =	ssyncadd.s32 @!p2 $0xFFFFE000  }
0x8e: {  	[tilespmem:s1], [sflag:$0x2] =	stream.indirect.gather @!p2 [hbm4b:s3+s0], $0x40, s5, s0, $0xb8;
	[tilespmem:$0x16400] =	vst v63  }
0x8f: {  	s13 =	sadd.s32 @!p2 $0x600, s7;
	s7 =	smov.u32 s11;
	_ =	swait.ge [sflag:s25], $0x2000  }
0x90: {  	s11 =	simm.s32 $0xE400;
	s5 =	rddreg [dreg:$0x4];
	[sflag:s25] =	ssyncset.done $0x0  }
0x91: {  	s2 =	simm.s32 @!p2 $0xB;
	[sflag:s25] =	ssyncadd.s32 $0xFFFFE000;
	s1 =	sadd.s32 s6, s5  }
0x92: {  	[hbm4b:s1+s19] =	stream.strided.scatter [tilespmem:s11], [sflag:$0xD], $0x2000, s8, s19, $0x38;
	[tilespmem:$0x16400] =	vst v63  }
0x93: {  	_ =	swait.ge @!p2 [sflag:s2], $0x2000  }
0x94: {  	[sflag:s2] =	ssyncset.done @!p2 $0x0  }
0x95: {  	s1 =	simm.s32 @!p2 $0xA400;
	[sflag:s2] =	ssyncadd.s32 @!p2 $0xFFFFE000  }
0x96: {  	[tilespmem:s1], [sflag:$0x3] =	stream.indirect.gather @!p2 [hbm4b:s3+s0], $0x40, s9, s0, $0xb8;
	[tilespmem:$0x16400] =	vst v63  }
0x97: {  	_ =	swait.ge [sflag:s26], $0x2000  }
0x98: {  	s11 =	rddreg [dreg:$0xa];
	[sflag:s26] =	ssyncset.done $0x0  }
0x99: {  	s2 =	simm.s32 @!p2 $0xC;
	[sflag:s26] =	ssyncadd.s32 $0xFFFFE000;
	s1 =	sadd.s32 s6, s11  }
0x9a: {  	[hbm4b:s1+s19] =	stream.strided.scatter [tilespmem:s17], [sflag:$0xE], $0x2000, s8, s19, $0x38;
	[tilespmem:$0x16400] =	vst v63  }
0x9b: {  	_ =	swait.ge @!p2 [sflag:s2], $0x2000  }
0x9c: {  	[sflag:s2] =	ssyncset.done @!p2 $0x0  }
0x9d: {  	s1 =	simm.s32 @!p2 $0xC400;
	[sflag:s2] =	ssyncadd.s32 @!p2 $0xFFFFE000  }
0x9e: {  	[tilespmem:s1], [sflag:$0x4] =	stream.indirect.gather @!p2 [hbm4b:s3+s0], $0x40, s15, s0, $0xb8;
	[tilespmem:$0x16400] =	vst v63  }
0x9f: {  	_ =	swait.ge [sflag:s28], $0x2000  }
0xa0: {  	s15 =	rddreg [dreg:$0x9];
	[sflag:s28] =	ssyncset.done $0x0  }
0xa1: {  	s2 =	simm.s32 @!p2 $0xD;
	[sflag:s28] =	ssyncadd.s32 $0xFFFFE000;
	s1 =	sadd.s32 s6, s15  }
0xa2: {  	[hbm4b:s1+s19] =	stream.strided.scatter [tilespmem:s20], [sflag:$0xF], $0x2000, s8, s19, $0x38;
	[tilespmem:$0x16400] =	vst v63  }
0xa3: {  	s31 =	sadd.s32 $0x1000, s31;
	_ =	swait.ge @!p2 [sflag:s2], $0x2000  }
0xa4: {  	p1 =	sne.s32 s31, $0x19000;
	[sflag:s2] =	ssyncset.done @!p2 $0x0  }
.Ltmp0:
0xa5: {  	s1 =	simm.s32 @!p2 $0xE400;
	[sflag:s2] =	ssyncadd.s32 @!p2 $0xFFFFE000;
	(pc) =	sbr.rel @p1 .LBB2_2-.Ltmp0, $4  }
0xa6: {  	[tilespmem:s1], [sflag:$0x5] =	stream.indirect.gather @!p2 [hbm4b:s3+s0], $0x40, s13, s0, $0xb8;
	[tilespmem:$0x16400] =	vst v63  }
0xa7: {  	_ =	swait.ge [sflag:s29], $0x2000  }
0xa8: {  	s4 =	smov.u32 s6;
	[sflag:s29] =	ssyncset.done $0x0  }
0xa9: {  	s6 =	sadd.s32 $0x4000, s6;
	s0 =	rddreg [dreg:$0x8];
	[sflag:s29] =	ssyncadd.s32 $0xFFFFE000  }
0xaa: {  	s1 =	simm.s32 @!p0 $0xE;
	s0 =	sadd.s32 s4, s0  }
0xab: {  	[hbm4b:s0+s19] =	stream.strided.scatter [tilespmem:s22], [sflag:$0x10], $0x2000, s8, s19, $0x38;
	[tilespmem:$0x16400] =	vst v63  }
0xac: {  	_ =	swait.ge @!p0 [sflag:s1], $0x2000  }
0xad: {  	s31 =	sshra.s32 s7, $0x2;
	[sflag:s1] =	ssyncset.done @!p0 $0x0  }
0xae: {  	s2 =	sadd.s32 $0x280, s31;
	[sflag:s1] =	ssyncadd.s32 @!p0 $0xFFFFE000  }
0xaf: {  	[tilespmem:s17], [sflag:$0x6] =	stream.indirect.gather [hbm4b:s3+s8], $0x40, s2, s8, $0xb8;
	[tilespmem:$0x16400] =	vst v63  }
0xb0: {  	_ =	swait.ge [sflag:s18], $0x2000  }
0xb1: {  	s4 =	rddreg [dreg:$0x3];
	[sflag:s18] =	ssyncset.done $0x0  }
0xb2: {  	s2 =	simm.s32 @!p0 $0xF;
	[sflag:s18] =	ssyncadd.s32 $0xFFFFE000;
	s1 =	sadd.s32 s6, s4  }
0xb3: {  	[hbm4b:s1+s19] =	stream.strided.scatter [tilespmem:s10], [sflag:$0x9], $0x2000, s8, s19, $0x38;
	[tilespmem:$0x16400] =	vst v63  }
0xb4: {  	_ =	swait.ge @!p0 [sflag:s2], $0x2000  }
0xb5: {  	[sflag:s2] =	ssyncset.done @!p0 $0x0  }
0xb6: {  	s5 =	sadd.s32 $0x300, s31;
	[sflag:s2] =	ssyncadd.s32 @!p0 $0xFFFFE000  }
0xb7: {  	[tilespmem:s20], [sflag:$0x7] =	stream.indirect.gather [hbm4b:s3+s8], $0x40, s5, s8, $0xb8;
	[tilespmem:$0x16400] =	vst v63  }
0xb8: {  	_ =	swait.ge [sflag:s21], $0x2000  }
0xb9: {  	s9 =	rddreg [dreg:$0x7];
	[sflag:s21] =	ssyncset.done $0x0  }
0xba: {  	p0 =	seq.s32 s7, $0x0;
	[sflag:s21] =	ssyncadd.s32 $0xFFFFE000;
	s1 =	sadd.s32 s6, s9  }
0xbb: {  	[hbm4b:s1+s19] =	stream.strided.scatter [tilespmem:s12], [sflag:$0xA], $0x2000, s8, s19, $0x38;
	[tilespmem:$0x16400] =	vst v63  }
0xbc: {  	s1 =	simm.s32 @!p0 $0x10  }
0xbd: {  	_ =	swait.ge @!p0 [sflag:s1], $0x2000  }
0xbe: {  	[sflag:s1] =	ssyncset.done @!p0 $0x0  }
0xbf: {  	s0 =	sadd.s32 $0x380, s31;
	[sflag:s1] =	ssyncadd.s32 @!p0 $0xFFFFE000  }
0xc0: {  	[tilespmem:s22], [sflag:$0x8] =	stream.indirect.gather [hbm4b:s3+s8], $0x40, s0, s8, $0xb8;
	[tilespmem:$0x16400] =	vst v63  }
0xc1: {  	_ =	swait.ge [sflag:s23], $0x2000  }
0xc2: {  	p0 =	seq.s32 s7, $0x18000;
	s11 =	rddreg [dreg:$0x6];
	[sflag:s23] =	ssyncset.done $0x0  }
0xc3: {  	s1 =	simm.s32 @!p0 $0x9;
	[sflag:s23] =	ssyncadd.s32 $0xFFFFE000;
	s0 =	sadd.s32 s6, s11  }
0xc4: {  	[hbm4b:s0+s19] =	stream.strided.scatter [tilespmem:s14], [sflag:$0xB], $0x2000, s8, s19, $0x38;
	[tilespmem:$0x16400] =	vst v63  }
0xc5: {  	_ =	swait.ge @!p0 [sflag:s1], $0x2000  }
0xc6: {  	s4 =	simm.s32 @!p0 $0x80;
	s0 =	sshra.s32 @!p0 s7, $0x2;
	[sflag:s1] =	ssyncset.done @!p0 $0x0  }
0xc7: {  	s2 =	sadd.s32 @!p0 $0x400, s0;
	[sflag:s1] =	ssyncadd.s32 @!p0 $0xFFFFE000;
	s1 =	simm.s32 @!p0 $0x6400  }
0xc8: {  	[tilespmem:s1], [sflag:$0x1] =	stream.indirect.gather @!p0 [hbm4b:s3+s4], $0x40, s2, s4, $0xb8;
	[tilespmem:$0x16400] =	vst v63  }
0xc9: {  	_ =	swait.ge [sflag:s24], $0x2000  }
0xca: {  	s13 =	rddreg [dreg:$0x5];
	[sflag:s24] =	ssyncset.done $0x0  }
0xcb: {  	s2 =	simm.s32 @!p0 $0xA;
	[sflag:s24] =	ssyncadd.s32 $0xFFFFE000;
	s1 =	sadd.s32 s6, s13  }
0xcc: {  	[hbm4b:s1+s19] =	stream.strided.scatter [tilespmem:s16], [sflag:$0xC], $0x2000, s8, s19, $0x38;
	[tilespmem:$0x16400] =	vst v63  }
0xcd: {  	_ =	swait.ge @!p0 [sflag:s2], $0x2000  }
0xce: {  	[sflag:s2] =	ssyncset.done @!p0 $0x0  }
0xcf: {  	s1 =	sadd.s32 @!p0 $0x480, s0;
	[sflag:s2] =	ssyncadd.s32 @!p0 $0xFFFFE000;
	s2 =	simm.s32 @!p0 $0x8400  }
0xd0: {  	[tilespmem:s2], [sflag:$0x2] =	stream.indirect.gather @!p0 [hbm4b:s3+s4], $0x40, s1, s4, $0xb8;
	[tilespmem:$0x16400] =	vst v63  }
0xd1: {  	_ =	swait.ge [sflag:s25], $0x2000  }
0xd2: {  	s5 =	simm.s32 $0xE400;
	s15 =	rddreg [dreg:$0x4];
	[sflag:s25] =	ssyncset.done $0x0  }
0xd3: {  	s2 =	simm.s32 @!p0 $0xB;
	[sflag:s25] =	ssyncadd.s32 $0xFFFFE000;
	s1 =	sadd.s32 s6, s15  }
0xd4: {  	[hbm4b:s1+s19] =	stream.strided.scatter [tilespmem:s5], [sflag:$0xD], $0x2000, s8, s19, $0x38;
	[tilespmem:$0x16400] =	vst v63  }
0xd5: {  	_ =	swait.ge @!p0 [sflag:s2], $0x2000  }
0xd6: {  	[sflag:s2] =	ssyncset.done @!p0 $0x0  }
0xd7: {  	s1 =	sadd.s32 @!p0 $0x500, s0;
	[sflag:s2] =	ssyncadd.s32 @!p0 $0xFFFFE000;
	s2 =	simm.s32 @!p0 $0xA400  }
0xd8: {  	[tilespmem:s2], [sflag:$0x3] =	stream.indirect.gather @!p0 [hbm4b:s3+s4], $0x40, s1, s4, $0xb8;
	[tilespmem:$0x16400] =	vst v63  }
0xd9: {  	_ =	swait.ge [sflag:s26], $0x2000  }
0xda: {  	s30 =	rddreg [dreg:$0xa];
	[sflag:s26] =	ssyncset.done $0x0  }
0xdb: {  	s2 =	simm.s32 @!p0 $0xC;
	[sflag:s26] =	ssyncadd.s32 $0xFFFFE000;
	s1 =	sadd.s32 s6, s30  }
0xdc: {  	[hbm4b:s1+s19] =	stream.strided.scatter [tilespmem:s17], [sflag:$0xE], $0x2000, s8, s19, $0x38;
	[tilespmem:$0x16400] =	vst v63  }
0xdd: {  	_ =	swait.ge @!p0 [sflag:s2], $0x2000  }
0xde: {  	[sflag:s2] =	ssyncset.done @!p0 $0x0  }
0xdf: {  	s1 =	sadd.s32 @!p0 $0x580, s0;
	[sflag:s2] =	ssyncadd.s32 @!p0 $0xFFFFE000;
	s2 =	simm.s32 @!p0 $0xC400  }
0xe0: {  	[tilespmem:s2], [sflag:$0x4] =	stream.indirect.gather @!p0 [hbm4b:s3+s4], $0x40, s1, s4, $0xb8;
	[tilespmem:$0x16400] =	vst v63  }
0xe1: {  	_ =	swait.ge [sflag:s28], $0x2000  }
0xe2: {  	s31 =	rddreg [dreg:$0x9];
	[sflag:s28] =	ssyncset.done $0x0  }
0xe3: {  	[sflag:s28] =	ssyncadd.s32 $0xFFFFE000;
	s1 =	sadd.s32 s6, s31  }
0xe4: {  	[hbm4b:s1+s19] =	stream.strided.scatter [tilespmem:s20], [sflag:$0xF], $0x2000, s8, s19, $0x38;
	[tilespmem:$0x16400] =	vst v63  }
0xe5: {  	s1 =	simm.s32 @!p0 $0xD  }
0xe6: {  	_ =	swait.ge @!p0 [sflag:s1], $0x2000  }
0xe7: {  	[sflag:s1] =	ssyncset.done @!p0 $0x0  }
0xe8: {  	s0 =	sadd.s32 @!p0 $0x600, s0;
	[sflag:s1] =	ssyncadd.s32 @!p0 $0xFFFFE000;
	s1 =	simm.s32 @!p0 $0xE400  }
0xe9: {  	[tilespmem:s1], [sflag:$0x5] =	stream.indirect.gather @!p0 [hbm4b:s3+s4], $0x40, s0, s4, $0xb8;
	[tilespmem:$0x16400] =	vst v63  }
0xea: {  	_ =	swait.ge [sflag:s29], $0x2000  }
0xeb: {  	s2 =	rddreg [dreg:$0x8];
	[sflag:s29] =	ssyncset.done $0x0  }
0xec: {  	s4 =	simm.s32 $0x9;
	s0 =	sadd.s32 s6, s2;
	[sflag:s29] =	ssyncadd.s32 $0xFFFFE000  }
0xed: {  	[hbm4b:s0+s19] =	stream.strided.scatter [tilespmem:s22], [sflag:$0x10], $0x2000, s8, s19, $0x38;
	[tilespmem:$0x16400] =	vst v63  }
0xee: {  	_ =	swait.ge [sflag:s4], $0x2000  }
0xef: {  	[sflag:s4] =	ssyncset.done $0x0  }
0xf0: {  	s5 =	simm.s32 $0xA;
	[sflag:s4] =	ssyncadd.s32 $0xFFFFE000  }
0xf1: {  	_ =	swait.ge [sflag:s5], $0x2000  }
0xf2: {  	[sflag:s5] =	ssyncset.done $0x0  }
0xf3: {  	s6 =	simm.s32 $0xB;
	[sflag:s5] =	ssyncadd.s32 $0xFFFFE000  }
0xf4: {  	_ =	swait.ge [sflag:s6], $0x2000  }
0xf5: {  	[sflag:s6] =	ssyncset.done $0x0  }
0xf6: {  	s7 =	simm.s32 $0xC;
	[sflag:s6] =	ssyncadd.s32 $0xFFFFE000  }
0xf7: {  	_ =	swait.ge [sflag:s7], $0x2000  }
0xf8: {  	[sflag:s7] =	ssyncset.done $0x0  }
0xf9: {  	s9 =	simm.s32 $0xD;
	[sflag:s7] =	ssyncadd.s32 $0xFFFFE000  }
0xfa: {  	_ =	swait.ge [sflag:s9], $0x2000  }
0xfb: {  	[sflag:s9] =	ssyncset.done $0x0  }
0xfc: {  	s11 =	simm.s32 $0xE;
	[sflag:s9] =	ssyncadd.s32 $0xFFFFE000  }
0xfd: {  	_ =	swait.ge [sflag:s11], $0x2000  }
0xfe: {  	[sflag:s11] =	ssyncset.done $0x0  }
0xff: {  	s13 =	simm.s32 $0xF;
	[sflag:s11] =	ssyncadd.s32 $0xFFFFE000  }
0x100: {  	_ =	swait.ge [sflag:s13], $0x2000  }
0x101: {  	[sflag:s13] =	ssyncset.done $0x0  }
0x102: {  	s15 =	simm.s32 $0x10;
	[sflag:s13] =	ssyncadd.s32 $0xFFFFE000  }
0x103: {  	_ =	swait.ge [sflag:s15], $0x2000  }
0x104: {  	s30 =	rddreg [dreg:$0xe]  }
0x105: {  	s31 =	rddreg [dreg:$0xd];
	s2 =	sadd.s32 $0x1, s30  }
0x106: {  	p0 =	sne.s32 s2, s31  }
.Ltmp1:
0x107: {  	_ = 	snop;
	(pc) =	sbr.rel @p0 .LBB2_1-.Ltmp1, $3  }
0x108: {  	_ =	sdelay $0x1  }
0x109: {  	[sflag:s15] =	ssyncset.done $0x0  }
0x10a: {  	[sflag:s15] =	ssyncadd.s32 $0xFFFFE000  }
0x10b: {  	_ =	sfence.sel $0x180000  }
0x10c: {  	[bflag:$0x0] =	sbarrier.arrive $0xFFFF  }
0x10d: {  	_ =	strace $0x90000047  }
0x10e: {  	s0 =	stileid.u32;
	[bflag:$0x2] =	sbarrier.arrive $0xFFFF  }
0x10f: {  	p0 =	sne.s32 s0, $0x0;
	s0 =	rddreg [dreg:$0x2]  }
0x110: {  	s0 =	sadd.s32 @!p0 $0x100000, s0  }
0x111: {  	[sflag:s0] =	ssyncadd.tile.s32 @!p0 $0x1;
	_ =	shalt  }
.Lfunc_end2:
_tile_overlayer_lowered:
.L_overlay_start_2:
0x112: {  	(tag) =	ssettag $0x2  }
0x113: {  	s0 =	rddreg [dreg:$0x0];
	s2 =	stileid.u32  }
0x114: {  	s1 =	rddreg [dreg:$0x1];
	p0 =	sne.s32 s2, $0x0  }
0x115: {  	s3 =	rddreg [dreg:$0x2];
	[bflag:$0x3] =	sbarrier.arrive $0xFFFF;
	s2 =	simm.s32 @!p0 $0x1C11  }
0x116: {  	[timem:s3], [sflag:s2] =	dma.local @!p0 [hbm:s0], s1  }
0x117: {  	s0 =	simm.s32 @!p0 $0x11  }
0x118: {  	_ =	swait.ge @!p0 [sflag:s0], s1  }
0x119: {  	s1 =	ssub.s32 @!p0 $0x0, s1;
	[sflag:s0] =	ssyncset.done @!p0 $0x0  }
0x11a: {  	[sflag:s0] =	ssyncadd.s32 @!p0 s1  }
0x11b: {  	[bflag:$0x3] =	sbarrier.arrive $0xFFFF  }
0x11c: {  	_ =	shalt  }

// kernel: sparse-core-data-format-call.cloned.1.call-start
scs
called_computation_lowered:
.L_overlay_start_0:
0x0: {  	s2 =	sld [smem:$0x3FD9]  }
0x1: {  	s3 =	sld [smem:$0x3FFE];
	_ =	sdelay $0x1  }
0x2: {  	s1 =	srdreg.scid  }
0x3: {  	s0 =	sand.u32 $0x1, s1  }
0x4: {  	s18 =	sshll.u32 s0, $0xA;
	s2 =	sadd.s32 s3, s2  }
0x5: {  	s2 =	sadd.s32 s2, s18  }
0x6: {  	[smem:$0x3FC6] =	sst s2  }
0x7: {  	_ = 	snop  }
0x8: {  	s2 =	sld [smem:$0x3FD0];
	(tm) =	ssettm $0x1  }
0x9: {  	s19 =	sld [smem:$0x3FFB];
	_ =	sdelay $0x3  }
0xa: {  	_ =	strace s19  }
0xb: {  	s3 =	sld [smem:$0x3FFC];
	_ =	sdelay $0x3  }
0xc: {  	_ =	strace s3  }
0xd: {  	s3 =	sld [smem:$0x3FFD];
	_ =	sdelay $0x3  }
0xe: {  	_ =	strace s3  }
0xf: {  	_ =	strace $0x8FFFFFFF  }
0x10: {  	s20 =	sld [smem:$0x3FDB];
	_ =	sdelay $0x1  }
0x11: {  	s4 =	simm.s32 $_scs_section_size  }
0x12: {  	s5 =	simm.s32 $_size__tile_overlayer_lowered;
	s6 =	simm.s32 $_tile_overlayer_lowered  }
0x13: {  	s23 =	simm.s32 $0x1BFF;
	s22 =	sshll.u32 s6, $0x1;
	s3 =	sadd.s32 s4, s20  }
0x14: {  	s7 =	simm.s32 $0x0;
	s21 =	sshll.u32 s5, $0x1;
	s5 =	sadd.s32 s22, s3  }
0x15: {  	[timem:s7], [sflag:s23] =	dma.local [hbm:s5], s21  }
0x16: {  	_ =	swait.ge [sflag:s23], s21  }
0x17: {  	s4 =	ssub.s32 $0x0, s21;
	[sflag:s23] =	ssyncset.done $0x0  }
0x18: {  	[sflag:s23] =	ssyncadd.s32 s4;
	_ =	sdelay $0x1  }
0x19: {  	s24 =	simm.s32 $0x1B8B  }
0x1a: {  	_ =	swait.ge [sflag:s24], $0x1  }
0x1b: {  	[sflag:s24] =	ssyncset.done $0x0  }
0x1c: {  	s26 =	simm.s32 $0x1B8E;
	s25 =	sld [smem:$0x3FFE];
	[sflag:s24] =	ssyncadd.s32 $0xFFFFFFFF  }
0x1d: {  	s27 =	simm.s32 $execute0_lowered;
	[smem:$0x3FD2] =	sst s26  }
0x1e: {  	s5 =	sshll.u32 s27, $0x1;
	_ =	strace $0x80000049;
	[dreg:$0x1] =	wrdreg $0xFFFFFFFF  }
0x1f: {  	s28 =	simm.s32 $_size_execute0_lowered;
	s3 =	sadd.s32 s3, s5;
	[dreg:$0x0] =	wrdreg $0x0  }
0x20: {  	s5 =	sshll.u32 s28, $0x1;
	[dreg:$0x2] =	wrdreg s3  }
0x21: {  	[dreg:$0x3] =	wrdreg s5  }
0x22: {  	[dreg:$0x4] =	wrdreg $0xC0  }
0x23: {  	_ =	task [dreg:s7], $0x5FFFF  }
0x24: {  	[dreg:$0x1] =	wrdreg $0xFFFFFFFF  }
0x25: {  	[dreg:$0x0] =	wrdreg $0x60  }
0x26: {  	[dreg:$0x2] =	wrdreg s25  }
0x27: {  	[dreg:$0x3] =	wrdreg s2  }
0x28: {  	[dreg:$0x4] =	wrdreg $0x9  }
0x29: {  	_ =	task.clear_ibuf [dreg:s7], $0x5FFFF;
	_ =	strace $0x90000049  }
0x2a: {  	s29 =	simm.s32 $0x9;
	_ =	strace $0x8000004B  }
0x2b: {  	_ =	swait.ge [sflag:s29], $0x1  }
0x2c: {  	[sflag:s29] =	ssyncadd.s32 $0xFFFFFFFF  }
0x2d: {  	_ =	strace $0x9000004B  }
0x2e: {  	_ =	sfence  }
0x2f: {  	s30 =	sld [smem:$0x0];
	_ =	sdelay $0x2  }
0x30: {  	s31 =	sshll.u32 s1, $0xD;
	s1 =	sshrl.u32 s1, $0x2  }
0x31: {  	s3 =	sand.u32 $0x4000, s31;
	s1 =	sadd.s32 s1, s30  }
0x32: {  	s0 =	sor.u32 s3, s0;
	s1 =	sshll.u32 s1, $0x11  }
0x33: {  	s0 =	sor.u32 s1, s0  }
0x34: {  	s0 =	sadd.s32 $0x8F2B, s0  }
0x35: {  	[sflag:s0] =	ssyncadd.remote.s32 $0x1  }
0x36: {  	_ =	sfence.sel $0xFFFF  }
0x37: {  	[dreg:$0x0] =	wrdreg $0xFFFFFFFF;
	(pc) =	sbr.abs _section_cstart, $3  }
0x38: {  	[dreg:$0x1] =	wrdreg $0xFFFFFFFF  }
0x39: {  	_ =	task.clear_ibuf [dreg:s7], $0x2FFFF;
	_ =	strace $0x9FFFFFFF  }
0x3a: {  	(tm) =	ssettm $0x7FFFFFFF  }
0x3b: {  	_ =	shalt  }
tec
execute0_lowered:
.L_overlay_start_1:
0x0: {  	(tag) =	ssettag $0x1  }
0x1: {  	s0 =	srdreg.scid  }
0x2: {  	s1 =	sshll.u32 s0, $0x4  }
0x3: {  	s0 =	stileid.u32;
	s1 =	sand.u32 $0x10, s1  }
0x4: {  	s1 =	sor.u32 s0, s1  }
0x5: {  	s6 =	rddreg [dreg:$0x0];
	s4 =	simm.s32 $0x1;
	s2 =	sshll.u32 s1, $0x7  }
0x6: {  	s7 =	simm.s32 $0x2;
	s12 =	simm.s32 $0x0;
	s1 =	ssub.s32 $0x1000, s2  }
0x7: {  	s8 =	simm.s32 $0x8000;
	s13 =	simm.s32 $0x0;
	s3 =	sand.u32 $0xF80, s1  }
0x8: {  	s9 =	simm.s32 $0x0;
	s5 =	sshrl.u32 s1, $0xC;
	p0 =	sne.s32 s3, $0x0  }
.Ltmp0:
0x9: {  	s1 =	rddreg [dreg:$0x2];
	s4 =	simm.s32 @!p0 $0x0;
	(pc) =	sbr.rel .LBB1_1-.Ltmp0, $4  }
0xa: {  	s11 =	simm.s32 $0x0;
	s3 =	rddreg [dreg:$0x1];
	s5 =	sadd.s32 s4, s5  }
0xb: {  	_ =	strace $0x8000004A;
	s4 =	simm.s32 $0x1;
	s5 =	smul.u32 $0xC8, s5  }
0xc: {  	s6 =	sadd.s32 $0xA00, s6;
	s10 =	smov.u32 s2;
	[sflag:s4] =	ssyncpa.u1 $0x0  }
0xd: {  	p0 =	por $0x0, $0x0;
	[sflag:s7] =	ssyncpa.u1 $0x0;
	s7 =	sor.u32 $0x1, s5  }
.LBB1_4:
0xe: {  	s16 =	sshll.u32 s13, $0x3;
	s17 =	sand.u32 $0x78, s13  }
0xf: {  	s30 =	sand.u32 $0x7E00, s13;
	s12 =	sshll.u32 s12, $0xF;
	s16 =	sand.u32 $0xC00, s16  }
0x10: {  	[tilespmem:s15+$0x810 ss:$0x81] =	vst.msk $0xffff, v2;
	s31 =	sand.u32 $0x7, s13;
	s16 =	sor.u32 s17, s16;
	s17 =	sadd.s32 s3, s30  }
0x11: {  	[tilespmem:s15+$0x1020 ss:$0x81] =	vst.msk $0xffff, v0;
	s13 =	sshll.u32 s31, $0x12;
	s12 =	sadd.s32 s12, s17;
	s16 =	sshrl.u32 s16, $0x3  }
0x12: {  	[tilespmem:s15+$0x0 ss:$0x81] =	vst.msk $0xffff, v1;
	s13 =	sor.u32 $0x400, s13;
	s12 =	sadd.s32 s16, s12  }
0x13: {  	[hbm4b:s12+s13] =	stream.strided.scatter [tilespmem:s14], [sflag:$0x2], $0x2000, s8, s13, $0x20;
	[tilespmem:$0x8080] =	vst v63  }
.LBB1_5:
0x14: {  	s14 =	sadd.s32 $0x1, s9  }
0x15: {  	s12 =	sadd.s32 $0x1000, s10;
	s16 =	smov.u32 s10;
	p2 =	sgt.s32 s14, $0xC7  }
0x16: {  	s16 =	smov.u32 @p2 s12  }
0x17: {  	s14 =	simm.s32 @p2 $0x0;
	p2 =	sgt.s32 s16, $0xFFF  }
0x18: {  	s16 =	smov.u32 @p2 s2;
	p2 =	sne.s32 s11, s7  }
.Ltmp1:
0x19: {  	p1 =	slt.u32 s11, $0x2;
	(pc) =	sbr.rel @!p2 .LBB1_6-.Ltmp1, $4  }
0x1a: {  	s15 =	simm.s32 @!p1 $0x2  }
0x1b: {  	s13 =	smov.u32 s10;
	p0 =	por !p0, !p0;
	_ =	swait.ge @!p1 [sflag:s15], $0x2000  }
0x1c: {  	s12 =	smov.u32 s9;
	[sflag:s15] =	ssyncset.done @!p1 $0x0;
	s9 =	smov.u32 s14  }
0x1d: {  	s11 =	sadd.s32 $0x1, s11;
	[sflag:s15] =	ssyncadd.s32 @!p1 $0xFFFFE000;
	s10 =	smov.u32 s16  }
.LBB1_1:
0x1e: {  	p1 =	sge.u32 s11, s5  }
0x1f: {  	s14 =	sand.u32 @!p1 $0x1FFFFFF, s9  }
0x20: {  	s15 =	smulhi.u32 @!p1 $0x147AE15, s14;
	_ =	sdelay $0x1  }
0x21: {  	s15 =	smul.u32 @!p1 $0xC8, s15  }
0x22: {  	s16 =	sxor.u32 @!p1 $0xFFFFFFFF, s11;
	s17 =	smul.u32 @!p1 $0xC80, s10  }
0x23: {  	s31 =	sadd.s32 $0xFFFFFFFF, s11;
	s16 =	sshll.u32 @!p1 s16, $0xD;
	s14 =	ssub.s32 @!p1 s14, s15  }
0x24: {  	s15 =	sand.u32 @!p1 $0x2000, s16;
	s16 =	sadd.s32 @!p1 s6, s17;
	s14 =	sshll.u32 @!p1 s14, $0x4  }
0x25: {  	s17 =	simm.s32 @!p1 $0x6400;
	s14 =	sadd.s32 @!p1 s14, s16;
	s16 =	simm.s32 @!p1 $0x40  }
0x26: {  	[tilespmem:s15], [sflag:$0x1] =	stream.strided.gather @!p1 [hbm4b:s14+s16], $0x2000, s17, s16, $0x38;
	[tilespmem:$0x8080] =	vst v63  }
0x27: {  	p1 =	sge.u32 s31, s5  }
.Ltmp2:
0x28: {  	_ = 	snop;
	(pc) =	sbr.rel @p1 .LBB1_5-.Ltmp2, $1  }
0x29: {  	_ =	sdelay $0x3  }
0x2a: {  	s14 =	simm.s32 $0x1  }
0x2b: {  	_ =	swait.ge [sflag:s4], $0x2000;
	s14 =	simm.s32 @!p0 $0x0  }
0x2c: {  	[sflag:s4] =	ssyncset.done $0x0;
	s15 =	sshll.u32 s14, $0xD  }
0x2d: {  	[sflag:s4] =	ssyncadd.s32 $0xFFFFE000;
	s18 =	sor.u32 $0x20, s15  }
0x2e: {  	s14 =	smul.u32 $0x8100, s14;
	v3 =	vld [tilespmem:s18+$0x10]  }
0x2f: {  	s30 =	sand.u32 $0x1, s11;
	v2 =	vld [tilespmem:s18+$0xFFFFFFF0]  }
0x30: {  	s15 =	smul.u32 $0x8100, s30;
	s14 =	sshrl.u32 s14, $0x2;
	v0 =	vld [tilespmem:s18+$0x0]  }
0x31: {  	v1 =	vld [tilespmem:s18+$0xFFFFFFE0];
	s16 =	sor.u32 $0x4000, s14  }
0x32: {  	s31 =	sshrl.u32 s15, $0x2;
	s15 =	sadd.s32 $0x0, s16  }
0x33: {  	s17 =	simm.s32 $0x4;
	s18 =	sadd.s32 $0x40, s18;
	s14 =	sor.u32 $0x4000, s31;
	[tilespmem:s15+$0x1830 ss:$0x81] =	vst.msk $0xffff, v3  }
.LBB1_3:
0x34: {  	v3 =	vld [tilespmem:s18+$0x10];
	p1 =	sne.s32 s17, $0x1FC;
	[tilespmem:s15+$0x810 ss:$0x81] =	vst.msk $0xffff, v2;
	s19 =	smov.u32 s17;
	s17 =	sadd.s32 $0x4, s17  }
.Ltmp3:
0x35: {  	v2 =	vld [tilespmem:s18+$0xFFFFFFF0];
	[tilespmem:s15+$0x1020 ss:$0x81] =	vst.msk $0xffff, v0;
	(pc) =	sbr.rel @p1 .LBB1_3-.Ltmp3, $4  }
0x36: {  	v0 =	vld [tilespmem:s18+$0x0];
	[tilespmem:s15+$0x0 ss:$0x81] =	vst.msk $0xffff, v1  }
0x37: {  	s15 =	sshra.s32 s19, $0x2;
	v1 =	vld [tilespmem:s18+$0xFFFFFFE0]  }
0x38: {  	s15 =	sadd.s32 s15, s16  }
0x39: {  	s18 =	sadd.s32 $0x40, s18;
	[tilespmem:s15+$0x1830 ss:$0x81] =	vst.msk $0xffff, v3  }
.Ltmp4:
0x3a: {  	_ = 	snop;
	(pc) =	sbr.rel .LBB1_4-.Ltmp4, $1  }
0x3b: {  	_ =	sdelay $0x3  }
.LBB1_6:
0x3c: {  	_ =	sfence.sel $0x180000  }
0x3d: {  	s2 =	simm.s32 $0x1;
	[bflag:$0x0] =	sbarrier.arrive $0xFFFF  }
0x3e: {  	s31 =	simm.s32 $0x2;
	[sflag:s2] =	ssyncpa.u1 $0x1  }
0x3f: {  	[sflag:s31] =	ssyncpa.u1 $0x1  }
0x40: {  	p0 =	sne.s32 s0, $0x0;
	_ =	strace $0x9000004A  }
0x41: {  	s0 =	sadd.s32 @!p0 $0x100000, s1;
	[bflag:$0x2] =	sbarrier.arrive $0xFFFF  }
0x42: {  	[sflag:s0] =	ssyncadd.tile.s32 @!p0 $0x1;
	_ =	shalt  }
.Lfunc_end1:
_tile_overlayer_lowered:
.L_overlay_start_2:
0x43: {  	(tag) =	ssettag $0x2  }
0x44: {  	s0 =	rddreg [dreg:$0x0];
	s2 =	stileid.u32  }
0x45: {  	s1 =	rddreg [dreg:$0x1];
	p0 =	sne.s32 s2, $0x0  }
0x46: {  	s3 =	rddreg [dreg:$0x2];
	[bflag:$0x3] =	sbarrier.arrive $0xFFFF;
	s2 =	simm.s32 @!p0 $0x1C01  }
0x47: {  	[timem:s3], [sflag:s2] =	dma.local @!p0 [hbm:s0], s1  }
0x48: {  	s0 =	simm.s32 @!p0 $0x1  }
0x49: {  	_ =	swait.ge @!p0 [sflag:s0], s1  }
0x4a: {  	s1 =	ssub.s32 @!p0 $0x0, s1;
	[sflag:s0] =	ssyncset.done @!p0 $0x0  }
0x4b: {  	[sflag:s0] =	ssyncadd.s32 @!p0 s1  }
0x4c: {  	[bflag:$0x3] =	sbarrier.arrive $0xFFFF  }
0x4d: {  	_ =	shalt  }

</sc_bundles>
